<compile_context>
chip_gen: v7x
topology: tpu7x:2x2x1
jax: 0.10.2.dev20260603
libtpu: 0.0.44.dev20260713+nightly
codegen_flags: <defaults>
</compile_context>

<pallas_src>
import functools

import jax
import jax.numpy as jnp
import numpy as np
from jax import lax
from jax.experimental import pallas as pl
from jax.experimental.pallas import tpu as pltpu
from jax.experimental.pallas import tpu_sc as plsc

_WARM_UP = 10
_N_ROWS = 16384
_N_IDX = 8192
_N_PSE = 2048
_NS = 16
_L = 16
_ROWS_PER_SC = _N_ROWS // _NS
_CHUNKS = _ROWS_PER_SC // _L
_IDX_PER_SC = _N_IDX // _NS
_IDX_BLK = 128
_PSE_PER_SC = _N_PSE // _NS
_NBLK = _IDX_PER_SC // _IDX_BLK


def _body(oc_hbm, pse_hbm, p_hbm, u_hbm, ep_hbm, res_hbm,
          out_v, conf_v, l_v, lalt_v, pse_v, pidx_v, uidx_v, vals_v,
          plo_v, pla_v, scat_v, flag_v, acc_v, iota_v, ep_v,
          l_sh, lalt_sh, acc_sh, tmp_sh, sem):
    sid = lax.axis_index("s")
    row0 = sid * _ROWS_PER_SC

    iota = lax.iota(jnp.int32, _L)
    iota_v[...] = iota * 0

    ds = [
        pltpu.async_copy(oc_hbm.at[pl.ds(2 * row0, 2 * _ROWS_PER_SC)],
                         out_v, sem),
        pltpu.async_copy(
            oc_hbm.at[pl.ds(2 * _N_ROWS + 2 * row0, 2 * _ROWS_PER_SC)],
            conf_v, sem),
        pltpu.async_copy(pse_hbm.at[pl.ds(sid, 1)], pse_v, sem),
        pltpu.async_copy(p_hbm.at[pl.ds(sid * _NBLK, _NBLK)], pidx_v, sem),
        pltpu.async_copy(u_hbm.at[pl.ds(sid * _NBLK, _NBLK)], uidx_v, sem),
        pltpu.async_copy(ep_hbm.at[iota_v], ep_v, sem),
    ]

    iota_v[...] = iota
    zero16 = jnp.zeros((_L,), jnp.float32)
    acc_v[...] = zero16

    @pl.when(sid == 0)
    def _():
        pltpu.sync_copy(acc_v, acc_sh)

    for d in ds:
        d.wait()

    c14 = jnp.float32(0.25)
    c13 = jnp.float32(1.0 / 3.0)
    c12 = jnp.float32(0.5)
    c1 = jnp.float32(1.0)

    def _dense(k, _):
        r0 = k * _L
        o0 = out_v[pl.ds(r0, _L)]
        o1 = out_v[pl.ds(_ROWS_PER_SC + r0, _L)]
        c0 = conf_v[pl.ds(r0, _L)]
        cc1 = conf_v[pl.ds(_ROWS_PER_SC + r0, _L)]
        e = jnp.exp(o1 - o0)
        inv = c1 / (c1 + e)
        s0 = inv
        s1 = e * inv
        g0 = s0 * (c1 + s0 * (c12 + s0 * (c13 + s0 * c14)))
        g1 = s1 * (c1 + s1 * (c12 + s1 * (c13 + s1 * c14)))
        l_v[pl.ds(r0, _L)] = g1 * c0 + g0 * cc1
        lalt_v[pl.ds(r0, _L)] = g0
        return 0
    lax.fori_loop(0, _CHUNKS, _dense, 0)

    dp = [
        pltpu.async_copy(l_v, l_sh.at[pl.ds(row0, _ROWS_PER_SC)], sem),
        pltpu.async_copy(lalt_v, lalt_sh.at[pl.ds(row0, _ROWS_PER_SC)], sem),
    ]
    for d in dp:
        d.wait()
    plsc.subcore_barrier()

    dg = [
        pltpu.async_copy(l_sh.at[pse_v.at[0]], plo_v, sem),
        pltpu.async_copy(lalt_sh.at[pse_v.at[0]], pla_v, sem),
    ]
    for d in dg:
        d.wait()
    w = jnp.where(ep_v[...] >= _WARM_UP, jnp.float32(1.0), jnp.float32(0.0))
    for i in range(_PSE_PER_SC // _L):
        lo = plo_v[pl.ds(i * _L, _L)]
        la = pla_v[pl.ds(i * _L, _L)]
        scat_v[pl.ds(i * _L, _L)] = lo + w * (la - lo)
    pltpu.sync_copy(scat_v, l_sh.at[pse_v.at[0]])
    plsc.subcore_barrier()

    dv = []
    for j in range(_NBLK):
        dv.append(pltpu.async_copy(
            l_sh.at[pidx_v.at[j]],
            vals_v.at[pl.ds(j * _IDX_BLK, _IDX_BLK)], sem))
        dv.append(pltpu.async_copy(
            l_sh.at[uidx_v.at[j]],
            vals_v.at[pl.ds(_IDX_PER_SC + j * _IDX_BLK, _IDX_BLK)], sem))
    for d in dv:
        d.wait()

    def _sum(k, acc):
        return acc + vals_v[pl.ds(k * _L, _L)]
    acc = lax.fori_loop(0, (2 * _IDX_PER_SC) // _L, _sum, zero16)
    acc_v[...] = acc

    pltpu.sync_copy(acc_v, acc_sh.at[iota_v], add=True)
    plsc.subcore_barrier()

    @pl.when(sid == 0)
    def _():
        pltpu.sync_copy(acc_sh, flag_v)
        v = flag_v[...]
        for shift in (8, 4, 2, 1):
            acc_v[...] = v
            pltpu.sync_copy(acc_v, tmp_sh)
            iota_v[...] = (iota + shift) & (_L - 1)
            pltpu.sync_copy(tmp_sh.at[iota_v], flag_v)
            v = v + flag_v[...]
        acc_v[...] = v * jnp.float32(1.0 / (_N_IDX + 1e-8))
        pltpu.sync_copy(acc_v.at[pl.ds(0, 1)], res_hbm)


@jax.jit
def _cls_loss_sc(oc, pse2d, p2d, u2d, ep1):
    mesh = plsc.VectorSubcoreMesh(core_axis_name="c", subcore_axis_name="s",
                                  num_cores=1)
    f32 = jnp.float32
    run = pl.kernel(
        _body,
        out_type=jax.ShapeDtypeStruct((1,), f32),
        mesh=mesh,
        scratch_types=[
            pltpu.VMEM((2 * _ROWS_PER_SC,), f32),
            pltpu.VMEM((2 * _ROWS_PER_SC,), f32),
            pltpu.VMEM((_ROWS_PER_SC,), f32),
            pltpu.VMEM((_ROWS_PER_SC,), f32),
            pltpu.VMEM((1, _PSE_PER_SC), jnp.int32),
            pltpu.VMEM((_NBLK, _IDX_BLK), jnp.int32),
            pltpu.VMEM((_NBLK, _IDX_BLK), jnp.int32),
            pltpu.VMEM((2 * _IDX_PER_SC,), f32),
            pltpu.VMEM((_PSE_PER_SC,), f32),
            pltpu.VMEM((_PSE_PER_SC,), f32),
            pltpu.VMEM((_PSE_PER_SC,), f32),
            pltpu.VMEM((_L,), f32),
            pltpu.VMEM((_L,), f32),
            pltpu.VMEM((_L,), jnp.int32),
            pltpu.VMEM((_L,), jnp.int32),
            pltpu.VMEM_SHARED((_N_ROWS,), f32),
            pltpu.VMEM_SHARED((_N_ROWS,), f32),
            pltpu.VMEM_SHARED((_L,), f32),
            pltpu.VMEM_SHARED((_L,), f32),
            pltpu.SemaphoreType.DMA,
        ],
    )
    return run(oc, pse2d, p2d, u2d, ep1)


def kernel(outputs, confidence, p_idx, u_idx, pse_n_idx, epoch):
    ep1 = jnp.asarray(epoch, jnp.int32).reshape(1)
    o1d = outputs.T.reshape(2, _NS, _ROWS_PER_SC).swapaxes(0, 1).reshape(-1)
    c1d = confidence.T.reshape(2, _NS, _ROWS_PER_SC).swapaxes(0, 1).reshape(-1)
    oc = jnp.concatenate([o1d, c1d])
    pse2d = pse_n_idx.reshape(_NS, _PSE_PER_SC)
    p2d = p_idx.reshape(_N_IDX // _IDX_BLK, _IDX_BLK)
    u2d = u_idx.reshape(_N_IDX // _IDX_BLK, _IDX_BLK)
    res = _cls_loss_sc(oc, pse2d, p2d, u2d, ep1)
    return res.reshape(())

# --- scband reference (transcript-rebuilt; emitter-appended) ---
"""Pipeline reference for scband-cls-loss-26121991094317 (READ-ONLY COPY).

The authoritative reference and input builder live on the scoring server;
editing this copy changes nothing except your own understanding.
"""

import jax, jax.numpy as jnp
import numpy as np

WARM_UP = 10
LOSS_TYPE = 'tce'


def setup_inputs(seed: int = 0) -> dict:
    key = jax.random.key(seed)
    k1, k2, k3, k4, k5 = jax.random.split(key, 5)
    outputs = jax.random.normal(k1, (16384, 2), dtype=jnp.float32)
    confidence = jax.random.uniform(k2, (16384, 2), dtype=jnp.float32)
    p_idx = jax.random.randint(k3, (8192,), 0, 16384, dtype=jnp.int32)
    u_idx = jax.random.randint(k4, (8192,), 0, 16384, dtype=jnp.int32)
    pse_n_idx = jax.random.randint(k5, (2048,), 0, 16384, dtype=jnp.int32)
    return {
        'outputs': outputs,
        'confidence': confidence,
        'p_idx': p_idx,
        'u_idx': u_idx,
        'pse_n_idx': pse_n_idx,
        'epoch': 12,
    }


def taylor_CE(outputs, t):
    sm = jax.nn.softmax(outputs, axis=1)
    taylor_outputs = jnp.zeros_like(outputs)
    for i in range(1, t + 1):
        taylor_outputs = taylor_outputs - jnp.power(1.0 - sm, i) / i
    return taylor_outputs


def confidence_update(batchCof, pse_n_idx):
    batchCof = batchCof.at[pse_n_idx, 0].set(0.0)
    batchCof = batchCof.at[pse_n_idx, 1].set(1.0)
    return batchCof


def reference(outputs, confidence, p_idx, u_idx, pse_n_idx, epoch):
    if LOSS_TYPE == 'ce':
        logsm_outputs = jax.nn.log_softmax(outputs, axis=1)
    else:
        logsm_outputs = taylor_CE(outputs, 4)
    updated = confidence_update(confidence, pse_n_idx)
    batchCof = jnp.where(epoch >= WARM_UP, updated, confidence)
    log_final_outputs = logsm_outputs * batchCof
    log_sample_loss = -jnp.sum(log_final_outputs, axis=1)
    p_loss = jnp.sum(log_sample_loss[p_idx]) / (p_idx.shape[0] + 1e-08)
    u_loss = jnp.sum(log_sample_loss[u_idx]) / (u_idx.shape[0] + 1e-08)
    average_loss = p_loss + u_loss
    return average_loss

if __name__ == "__main__":
    import jax
    _d = setup_inputs()
    print(jax.jit(kernel)(*tuple(_d.values())))

</pallas_src>

<mosaic_0001>
#map = affine_map<(d0, d1) -> (0)>
#map1 = affine_map<(d0, d1) -> (0, 0)>
module attributes {stable_mosaic.version = 14 : i64} {
  func.func @_body(%arg0: i32, %arg1: i32, %arg2: memref<65536xf32, #tpu.memory_space<hbm>>, %arg3: memref<16x128xi32, #tpu.memory_space<hbm>>, %arg4: memref<64x128xi32, #tpu.memory_space<hbm>>, %arg5: memref<64x128xi32, #tpu.memory_space<hbm>>, %arg6: memref<1xi32, #tpu.memory_space<hbm>>, %arg7: memref<1xf32, #tpu.memory_space<hbm>>, %arg8: memref<2048xf32, #tpu.memory_space<vmem>>, %arg9: memref<2048xf32, #tpu.memory_space<vmem>>, %arg10: memref<1024xf32, #tpu.memory_space<vmem>>, %arg11: memref<1024xf32, #tpu.memory_space<vmem>>, %arg12: memref<1x128xi32, #tpu.memory_space<vmem>>, %arg13: memref<4x128xi32, #tpu.memory_space<vmem>>, %arg14: memref<4x128xi32, #tpu.memory_space<vmem>>, %arg15: memref<1024xf32, #tpu.memory_space<vmem>>, %arg16: memref<128xf32, #tpu.memory_space<vmem>>, %arg17: memref<128xf32, #tpu.memory_space<vmem>>, %arg18: memref<128xf32, #tpu.memory_space<vmem>>, %arg19: memref<16xf32, #tpu.memory_space<vmem>>, %arg20: memref<16xf32, #tpu.memory_space<vmem>>, %arg21: memref<16xi32, #tpu.memory_space<vmem>>, %arg22: memref<16xi32, #tpu.memory_space<vmem>>, %arg23: memref<16384xf32, #tpu.memory_space<vmem_shared>>, %arg24: memref<16384xf32, #tpu.memory_space<vmem_shared>>, %arg25: memref<16xf32, #tpu.memory_space<vmem_shared>>, %arg26: memref<16xf32, #tpu.memory_space<vmem_shared>>, %arg27: memref<!tpu.dma_semaphore, #tpu.memory_space<semaphore_mem>>) attributes {dimension_semantics = [#tpu.dimension_semantics<core_parallel>, #tpu.dimension_semantics<subcore_parallel>], iteration_bounds = array<i64: 1, 16>, scalar_prefetch = 0 : i64, scratch_operands = 20 : i64, tpu.core_type = #tpu.core_type<sc_vector_subcore>, window_params = [{transform_indices = #map}, {transform_indices = #map1}, {transform_indices = #map1}, {transform_indices = #map1}, {transform_indices = #map}, {transform_indices = #map}]} {
    %mul3A = arith.constant 1024 : i32
    %mul3A_0 = arith.muli %arg1, %mul3A : i32
    %iota3A = tpu.iota {dimensions = array<i32: 0>} : vector<16xi32>
    %mul3A_1 = arith.constant 0 : i32
    %mul3A_2 = vector.broadcast %mul3A_1 : i32 to vector<16xi32>
    %mul3A_3 = arith.muli %iota3A, %mul3A_2 : vector<16xi32>
    %swap3A = arith.constant 0 : index
    %swap3A_4 = tpu.vector_load %arg21[%swap3A] {strides = array<i32>} : memref<16xi32, #tpu.memory_space<vmem>>, vector<16xi32>,
    %swap3A_5 = vector.shape_cast %swap3A_4 : vector<16xi32> to vector<16xi32>
    %swap3A_6 = vector.shape_cast %mul3A_3 : vector<16xi32> to vector<16xi32>
    tpu.vector_store %arg21[%swap3A], %swap3A_6 {strides = array<i32>} : memref<16xi32, #tpu.memory_space<vmem>>, vector<16xi32>,
    %mul3A_7 = arith.constant 2 : i32
    %mul3A_8 = arith.muli %mul3A_7, %mul3A_0 : i32
    %dma_start3A = tpu.memref_slice %arg2[%mul3A_8] : memref<65536xf32, #tpu.memory_space<hbm>> -> memref<2048xf32, #tpu.memory_space<hbm>>
    %dma_start3A_9 = tpu.memref_slice %arg2[%mul3A_8] : memref<65536xf32, #tpu.memory_space<hbm>> -> memref<2048xf32, #tpu.memory_space<hbm>>
    tpu.enqueue_dma source(%dma_start3A_9 : memref<2048xf32, #tpu.memory_space<hbm>>) target(%arg8 : memref<2048xf32, #tpu.memory_space<vmem>>) target_semaphore(%arg27 : memref<!tpu.dma_semaphore, #tpu.memory_space<semaphore_mem>>)
    %mul3A_10 = arith.constant 2 : i32
    %mul3A_11 = arith.muli %mul3A_10, %mul3A_0 : i32
    %add3A = arith.constant 32768 : i32
    %add3A_12 = arith.addi %add3A, %mul3A_11 : i32
    %dma_start3A_13 = tpu.memref_slice %arg2[%add3A_12] : memref<65536xf32, #tpu.memory_space<hbm>> -> memref<2048xf32, #tpu.memory_space<hbm>>
    %dma_start3A_14 = tpu.memref_slice %arg2[%add3A_12] : memref<65536xf32, #tpu.memory_space<hbm>> -> memref<2048xf32, #tpu.memory_space<hbm>>
    tpu.enqueue_dma source(%dma_start3A_14 : memref<2048xf32, #tpu.memory_space<hbm>>) target(%arg9 : memref<2048xf32, #tpu.memory_space<vmem>>) target_semaphore(%arg27 : memref<!tpu.dma_semaphore, #tpu.memory_space<semaphore_mem>>)
    %dma_start3A_15 = arith.constant 0 : i32
    %dma_start3A_16 = tpu.memref_slice %arg3[%arg1, %dma_start3A_15] : memref<16x128xi32, #tpu.memory_space<hbm>> -> memref<1x128xi32, #tpu.memory_space<hbm>>
    %dma_start3A_17 = arith.constant 0 : i32
    %dma_start3A_18 = tpu.memref_slice %arg3[%arg1, %dma_start3A_17] : memref<16x128xi32, #tpu.memory_space<hbm>> -> memref<1x128xi32, #tpu.memory_space<hbm>>
    tpu.enqueue_dma source(%dma_start3A_18 : memref<1x128xi32, #tpu.memory_space<hbm>>) target(%arg12 : memref<1x128xi32, #tpu.memory_space<vmem>>) target_semaphore(%arg27 : memref<!tpu.dma_semaphore, #tpu.memory_space<semaphore_mem>>)
    %mul3A_19 = arith.constant 4 : i32
    %mul3A_20 = arith.muli %arg1, %mul3A_19 : i32
    %dma_start3A_21 = arith.constant 0 : i32
    %dma_start3A_22 = tpu.memref_slice %arg4[%mul3A_20, %dma_start3A_21] : memref<64x128xi32, #tpu.memory_space<hbm>> -> memref<4x128xi32, #tpu.memory_space<hbm>>
    %dma_start3A_23 = arith.constant 0 : i32
    %dma_start3A_24 = tpu.memref_slice %arg4[%mul3A_20, %dma_start3A_23] : memref<64x128xi32, #tpu.memory_space<hbm>> -> memref<4x128xi32, #tpu.memory_space<hbm>>
    tpu.enqueue_dma source(%dma_start3A_24 : memref<4x128xi32, #tpu.memory_space<hbm>>) target(%arg13 : memref<4x128xi32, #tpu.memory_space<vmem>>) target_semaphore(%arg27 : memref<!tpu.dma_semaphore, #tpu.memory_space<semaphore_mem>>)
    %mul3A_25 = arith.constant 4 : i32
    %mul3A_26 = arith.muli %arg1, %mul3A_25 : i32
    %dma_start3A_27 = arith.constant 0 : i32
    %dma_start3A_28 = tpu.memref_slice %arg5[%mul3A_26, %dma_start3A_27] : memref<64x128xi32, #tpu.memory_space<hbm>> -> memref<4x128xi32, #tpu.memory_space<hbm>>
    %dma_start3A_29 = arith.constant 0 : i32
    %dma_start3A_30 = tpu.memref_slice %arg5[%mul3A_26, %dma_start3A_29] : memref<64x128xi32, #tpu.memory_space<hbm>> -> memref<4x128xi32, #tpu.memory_space<hbm>>
    tpu.enqueue_dma source(%dma_start3A_30 : memref<4x128xi32, #tpu.memory_space<hbm>>) target(%arg14 : memref<4x128xi32, #tpu.memory_space<vmem>>) target_semaphore(%arg27 : memref<!tpu.dma_semaphore, #tpu.memory_space<semaphore_mem>>)
    %dma_start3A_31 = arith.constant 0 : i32
    %dma_start3A_32 = tpu.memref_slice %arg6[%dma_start3A_31] : memref<1xi32, #tpu.memory_space<hbm>> -> memref<1xi32, #tpu.memory_space<hbm>>
    tpu.enqueue_indirect_dma source(%dma_start3A_32 : memref<1xi32, #tpu.memory_space<hbm>>) target(%arg22 : memref<16xi32, #tpu.memory_space<vmem>>) offsets(%arg21 : memref<16xi32, #tpu.memory_space<vmem>>) semaphore(%arg27 : memref<!tpu.dma_semaphore, #tpu.memory_space<semaphore_mem>>)
    %swap3A_33 = arith.constant 0 : index
    %swap3A_34 = tpu.vector_load %arg21[%swap3A_33] {strides = array<i32>} : memref<16xi32, #tpu.memory_space<vmem>>, vector<16xi32>,
    %swap3A_35 = vector.shape_cast %swap3A_34 : vector<16xi32> to vector<16xi32>
    %swap3A_36 = vector.shape_cast %iota3A : vector<16xi32> to vector<16xi32>
    tpu.vector_store %arg21[%swap3A_33], %swap3A_36 {strides = array<i32>} : memref<16xi32, #tpu.memory_space<vmem>>, vector<16xi32>,
    %broadcast_in_dim3A = arith.constant 0.000000e+00 : f32
    %broadcast_in_dim3A_37 = vector.broadcast %broadcast_in_dim3A : f32 to vector<16xf32>
    %swap3A_38 = arith.constant 0 : index
    %swap3A_39 = tpu.vector_load %arg20[%swap3A_38] {strides = array<i32>} : memref<16xf32, #tpu.memory_space<vmem>>, vector<16xf32>,
    %swap3A_40 = vector.shape_cast %swap3A_39 : vector<16xf32> to vector<16xf32>
    %swap3A_41 = vector.shape_cast %broadcast_in_dim3A_37 : vector<16xf32> to vector<16xf32>
    tpu.vector_store %arg20[%swap3A_38], %swap3A_41 {strides = array<i32>} : memref<16xf32, #tpu.memory_space<vmem>>, vector<16xf32>,
    %eq3A = arith.constant 0 : i32
    %eq3A_42 = arith.cmpi eq, %arg1, %eq3A : i32
    %convert_element_type3A = arith.extui %eq3A_42 : i1 to i32
    %cond3A = arith.constant 0 : i32
    %cond3A_43 = arith.cmpi ne, %convert_element_type3A, %cond3A : i32
    scf.if %cond3A_43 {
      "tpu.region"() ({
        %run_scoped3A_358 = tpu.sem_alloc : memref<!tpu.dma_semaphore, #tpu.memory_space<semaphore_mem>>
        tpu.enqueue_dma source(%arg20 : memref<16xf32, #tpu.memory_space<vmem>>) target(%arg25 : memref<16xf32, #tpu.memory_space<vmem_shared>>) target_semaphore(%run_scoped3A_358 : memref<!tpu.dma_semaphore, #tpu.memory_space<semaphore_mem>>)
        tpu.wait_dma2 semaphore(%run_scoped3A_358 : memref<!tpu.dma_semaphore, #tpu.memory_space<semaphore_mem>>) src(%arg20 : memref<16xf32, #tpu.memory_space<vmem>>) dst(%arg25 : memref<16xf32, #tpu.memory_space<vmem_shared>>)
        tpu.yield
      }) : () -> ()
    } else {
    }
    %dma_wait3A = tpu.memref_slice %arg2[%mul3A_8] : memref<65536xf32, #tpu.memory_space<hbm>> -> memref<2048xf32, #tpu.memory_space<hbm>>
    %dma_wait3A_44 = tpu.memref_slice %arg2[%mul3A_8] : memref<65536xf32, #tpu.memory_space<hbm>> -> memref<2048xf32, #tpu.memory_space<hbm>>
    tpu.wait_dma2 semaphore(%arg27 : memref<!tpu.dma_semaphore, #tpu.memory_space<semaphore_mem>>) src(%dma_wait3A_44 : memref<2048xf32, #tpu.memory_space<hbm>>) dst(%arg8 : memref<2048xf32, #tpu.memory_space<vmem>>)
    %dma_wait3A_45 = tpu.memref_slice %arg2[%add3A_12] : memref<65536xf32, #tpu.memory_space<hbm>> -> memref<2048xf32, #tpu.memory_space<hbm>>
    %dma_wait3A_46 = tpu.memref_slice %arg2[%add3A_12] : memref<65536xf32, #tpu.memory_space<hbm>> -> memref<2048xf32, #tpu.memory_space<hbm>>
    tpu.wait_dma2 semaphore(%arg27 : memref<!tpu.dma_semaphore, #tpu.memory_space<semaphore_mem>>) src(%dma_wait3A_46 : memref<2048xf32, #tpu.memory_space<hbm>>) dst(%arg9 : memref<2048xf32, #tpu.memory_space<vmem>>)
    %dma_wait3A_47 = arith.constant 0 : i32
    %dma_wait3A_48 = tpu.memref_slice %arg3[%arg1, %dma_wait3A_47] : memref<16x128xi32, #tpu.memory_space<hbm>> -> memref<1x128xi32, #tpu.memory_space<hbm>>
    %dma_wait3A_49 = arith.constant 0 : i32
    %dma_wait3A_50 = tpu.memref_slice %arg3[%arg1, %dma_wait3A_49] : memref<16x128xi32, #tpu.memory_space<hbm>> -> memref<1x128xi32, #tpu.memory_space<hbm>>
    tpu.wait_dma2 semaphore(%arg27 : memref<!tpu.dma_semaphore, #tpu.memory_space<semaphore_mem>>) src(%dma_wait3A_50 : memref<1x128xi32, #tpu.memory_space<hbm>>) dst(%arg12 : memref<1x128xi32, #tpu.memory_space<vmem>>)
    %dma_wait3A_51 = arith.constant 0 : i32
    %dma_wait3A_52 = tpu.memref_slice %arg4[%mul3A_20, %dma_wait3A_51] : memref<64x128xi32, #tpu.memory_space<hbm>> -> memref<4x128xi32, #tpu.memory_space<hbm>>
    %dma_wait3A_53 = arith.constant 0 : i32
    %dma_wait3A_54 = tpu.memref_slice %arg4[%mul3A_20, %dma_wait3A_53] : memref<64x128xi32, #tpu.memory_space<hbm>> -> memref<4x128xi32, #tpu.memory_space<hbm>>
    tpu.wait_dma2 semaphore(%arg27 : memref<!tpu.dma_semaphore, #tpu.memory_space<semaphore_mem>>) src(%dma_wait3A_54 : memref<4x128xi32, #tpu.memory_space<hbm>>) dst(%arg13 : memref<4x128xi32, #tpu.memory_space<vmem>>)
    %dma_wait3A_55 = arith.constant 0 : i32
    %dma_wait3A_56 = tpu.memref_slice %arg5[%mul3A_26, %dma_wait3A_55] : memref<64x128xi32, #tpu.memory_space<hbm>> -> memref<4x128xi32, #tpu.memory_space<hbm>>
    %dma_wait3A_57 = arith.constant 0 : i32
    %dma_wait3A_58 = tpu.memref_slice %arg5[%mul3A_26, %dma_wait3A_57] : memref<64x128xi32, #tpu.memory_space<hbm>> -> memref<4x128xi32, #tpu.memory_space<hbm>>
    tpu.wait_dma2 semaphore(%arg27 : memref<!tpu.dma_semaphore, #tpu.memory_space<semaphore_mem>>) src(%dma_wait3A_58 : memref<4x128xi32, #tpu.memory_space<hbm>>) dst(%arg14 : memref<4x128xi32, #tpu.memory_space<vmem>>)
    %dma_wait3A_59 = arith.constant 0 : i32
    %dma_wait3A_60 = tpu.memref_slice %arg6[%dma_wait3A_59] : memref<1xi32, #tpu.memory_space<hbm>> -> memref<1xi32, #tpu.memory_space<hbm>>
    tpu.wait_indirect_dma semaphore(%arg27 : memref<!tpu.dma_semaphore, #tpu.memory_space<semaphore_mem>>) src(%dma_wait3A_60 : memref<1xi32, #tpu.memory_space<hbm>>) dst(%arg22 : memref<16xi32, #tpu.memory_space<vmem>>)
    %scan3A = arith.constant 1.000000e+00 : f32
    %scan3A_61 = arith.constant 2.500000e-01 : f32
    %scan3A_62 = arith.constant 0.333333343 : f32
    %scan3A_63 = arith.constant 5.000000e-01 : f32
    %scan3A_64 = arith.constant 0 : i32
    %scan3A_65 = arith.constant 0 : i32
    %scan3A_66 = arith.constant 64 : i32
    %scan3A_67 = arith.addi %scan3A_65, %scan3A_66 : i32
    %scan3A_68 = arith.constant 1 : i32
    %scan3A_69 = scf.for %scan3A_358 = %scan3A_65 to %scan3A_67 step %scan3A_68 iter_args(%scan3A_359 = %scan3A_64) -> (i32)  : i32 {
      %mul3A_360 = arith.constant 16 : i32
      %mul3A_361 = arith.muli %scan3A_358, %mul3A_360 : i32
      %get3A_362 = arith.index_cast %mul3A_361 : i32 to index
      %get3A_363 = tpu.vector_load %arg8[%get3A_362] {strides = array<i32>} : memref<2048xf32, #tpu.memory_space<vmem>>, vector<16xf32>,
      %get3A_364 = vector.shape_cast %get3A_363 : vector<16xf32> to vector<16xf32>
      %add3A_365 = arith.constant 1024 : i32
      %add3A_366 = arith.addi %add3A_365, %mul3A_361 : i32
      %get3A_367 = arith.index_cast %add3A_366 : i32 to index
      %get3A_368 = tpu.vector_load %arg8[%get3A_367] {strides = array<i32>} : memref<2048xf32, #tpu.memory_space<vmem>>, vector<16xf32>,
      %get3A_369 = vector.shape_cast %get3A_368 : vector<16xf32> to vector<16xf32>
      %get3A_370 = arith.index_cast %mul3A_361 : i32 to index
      %get3A_371 = tpu.vector_load %arg9[%get3A_370] {strides = array<i32>} : memref<2048xf32, #tpu.memory_space<vmem>>, vector<16xf32>,
      %get3A_372 = vector.shape_cast %get3A_371 : vector<16xf32> to vector<16xf32>
      %add3A_373 = arith.constant 1024 : i32
      %add3A_374 = arith.addi %add3A_373, %mul3A_361 : i32
      %get3A_375 = arith.index_cast %add3A_374 : i32 to index
      %get3A_376 = tpu.vector_load %arg9[%get3A_375] {strides = array<i32>} : memref<2048xf32, #tpu.memory_space<vmem>>, vector<16xf32>,
      %get3A_377 = vector.shape_cast %get3A_376 : vector<16xf32> to vector<16xf32>
      %sub3A_378 = arith.subf %get3A_369, %get3A_364 : vector<16xf32>
      %exp3A = math.exp %sub3A_378 : vector<16xf32>
      %add3A_379 = vector.broadcast %scan3A : f32 to vector<16xf32>
      %add3A_380 = arith.addf %add3A_379, %exp3A : vector<16xf32>
      %div3A = vector.broadcast %scan3A : f32 to vector<16xf32>
      %div3A_381 = arith.divf %div3A, %add3A_380 : vector<16xf32>
      %mul3A_382 = arith.mulf %exp3A, %div3A_381 : vector<16xf32>
      %mul3A_383 = vector.broadcast %scan3A_61 : f32 to vector<16xf32>
      %mul3A_384 = arith.mulf %div3A_381, %mul3A_383 : vector<16xf32>
      %add3A_385 = vector.broadcast %scan3A_62 : f32 to vector<16xf32>
      %add3A_386 = arith.addf %add3A_385, %mul3A_384 : vector<16xf32>
      %mul3A_387 = arith.mulf %div3A_381, %add3A_386 : vector<16xf32>
      %add3A_388 = vector.broadcast %scan3A_63 : f32 to vector<16xf32>
      %add3A_389 = arith.addf %add3A_388, %mul3A_387 : vector<16xf32>
      %mul3A_390 = arith.mulf %div3A_381, %add3A_389 : vector<16xf32>
      %add3A_391 = vector.broadcast %scan3A : f32 to vector<16xf32>
      %add3A_392 = arith.addf %add3A_391, %mul3A_390 : vector<16xf32>
      %mul3A_393 = arith.mulf %div3A_381, %add3A_392 : vector<16xf32>
      %mul3A_394 = vector.broadcast %scan3A_61 : f32 to vector<16xf32>
      %mul3A_395 = arith.mulf %mul3A_382, %mul3A_394 : vector<16xf32>
      %add3A_396 = vector.broadcast %scan3A_62 : f32 to vector<16xf32>
      %add3A_397 = arith.addf %add3A_396, %mul3A_395 : vector<16xf32>
      %mul3A_398 = arith.mulf %mul3A_382, %add3A_397 : vector<16xf32>
      %add3A_399 = vector.broadcast %scan3A_63 : f32 to vector<16xf32>
      %add3A_400 = arith.addf %add3A_399, %mul3A_398 : vector<16xf32>
      %mul3A_401 = arith.mulf %mul3A_382, %add3A_400 : vector<16xf32>
      %add3A_402 = vector.broadcast %scan3A : f32 to vector<16xf32>
      %add3A_403 = arith.addf %add3A_402, %mul3A_401 : vector<16xf32>
      %mul3A_404 = arith.mulf %mul3A_382, %add3A_403 : vector<16xf32>
      %mul3A_405 = arith.mulf %mul3A_404, %get3A_372 : vector<16xf32>
      %mul3A_406 = arith.mulf %mul3A_393, %get3A_377 : vector<16xf32>
      %add3A_407 = arith.addf %mul3A_405, %mul3A_406 : vector<16xf32>
      %swap3A_408 = arith.index_cast %mul3A_361 : i32 to index
      %swap3A_409 = tpu.vector_load %arg10[%swap3A_408] {strides = array<i32>} : memref<1024xf32, #tpu.memory_space<vmem>>, vector<16xf32>,
      %swap3A_410 = vector.shape_cast %swap3A_409 : vector<16xf32> to vector<16xf32>
      %swap3A_411 = vector.shape_cast %add3A_407 : vector<16xf32> to vector<16xf32>
      tpu.vector_store %arg10[%swap3A_408], %swap3A_411 {strides = array<i32>} : memref<1024xf32, #tpu.memory_space<vmem>>, vector<16xf32>,
      %swap3A_412 = arith.index_cast %mul3A_361 : i32 to index
      %swap3A_413 = tpu.vector_load %arg11[%swap3A_412] {strides = array<i32>} : memref<1024xf32, #tpu.memory_space<vmem>>, vector<16xf32>,
      %swap3A_414 = vector.shape_cast %swap3A_413 : vector<16xf32> to vector<16xf32>
      %swap3A_415 = vector.shape_cast %mul3A_393 : vector<16xf32> to vector<16xf32>
      tpu.vector_store %arg11[%swap3A_412], %swap3A_415 {strides = array<i32>} : memref<1024xf32, #tpu.memory_space<vmem>>, vector<16xf32>,
      %scan3A_416 = arith.constant 0 : i32
      scf.yield %scan3A_416 : i32
    }
    %scan3A_70 = arith.constant 64 : i32
    %dma_start3A_71 = tpu.memref_slice %arg23[%mul3A_0] : memref<16384xf32, #tpu.memory_space<vmem_shared>> -> memref<1024xf32, #tpu.memory_space<vmem_shared>>
    %dma_start3A_72 = tpu.memref_slice %arg23[%mul3A_0] : memref<16384xf32, #tpu.memory_space<vmem_shared>> -> memref<1024xf32, #tpu.memory_space<vmem_shared>>
    tpu.enqueue_dma source(%arg10 : memref<1024xf32, #tpu.memory_space<vmem>>) target(%dma_start3A_72 : memref<1024xf32, #tpu.memory_space<vmem_shared>>) target_semaphore(%arg27 : memref<!tpu.dma_semaphore, #tpu.memory_space<semaphore_mem>>)
    %dma_start3A_73 = tpu.memref_slice %arg24[%mul3A_0] : memref<16384xf32, #tpu.memory_space<vmem_shared>> -> memref<1024xf32, #tpu.memory_space<vmem_shared>>
    %dma_start3A_74 = tpu.memref_slice %arg24[%mul3A_0] : memref<16384xf32, #tpu.memory_space<vmem_shared>> -> memref<1024xf32, #tpu.memory_space<vmem_shared>>
    tpu.enqueue_dma source(%arg11 : memref<1024xf32, #tpu.memory_space<vmem>>) target(%dma_start3A_74 : memref<1024xf32, #tpu.memory_space<vmem_shared>>) target_semaphore(%arg27 : memref<!tpu.dma_semaphore, #tpu.memory_space<semaphore_mem>>)
    %dma_wait3A_75 = tpu.memref_slice %arg23[%mul3A_0] : memref<16384xf32, #tpu.memory_space<vmem_shared>> -> memref<1024xf32, #tpu.memory_space<vmem_shared>>
    %dma_wait3A_76 = tpu.memref_slice %arg23[%mul3A_0] : memref<16384xf32, #tpu.memory_space<vmem_shared>> -> memref<1024xf32, #tpu.memory_space<vmem_shared>>
    tpu.wait_dma2 semaphore(%arg27 : memref<!tpu.dma_semaphore, #tpu.memory_space<semaphore_mem>>) src(%arg10 : memref<1024xf32, #tpu.memory_space<vmem>>) dst(%dma_wait3A_76 : memref<1024xf32, #tpu.memory_space<vmem_shared>>)
    %dma_wait3A_77 = tpu.memref_slice %arg24[%mul3A_0] : memref<16384xf32, #tpu.memory_space<vmem_shared>> -> memref<1024xf32, #tpu.memory_space<vmem_shared>>
    %dma_wait3A_78 = tpu.memref_slice %arg24[%mul3A_0] : memref<16384xf32, #tpu.memory_space<vmem_shared>> -> memref<1024xf32, #tpu.memory_space<vmem_shared>>
    tpu.wait_dma2 semaphore(%arg27 : memref<!tpu.dma_semaphore, #tpu.memory_space<semaphore_mem>>) src(%arg11 : memref<1024xf32, #tpu.memory_space<vmem>>) dst(%dma_wait3A_78 : memref<1024xf32, #tpu.memory_space<vmem_shared>>)
    %barrier3A = arith.constant 0 : index
    tpu.barrier barrier_id(%barrier3A)
    %dma_start3A_79 = arith.constant 0 : i32
    %dma_start3A_80 = arith.constant 0 : i32
    %dma_start3A_81 = tpu.memref_slice %arg12[%dma_start3A_79, %dma_start3A_80] : memref<1x128xi32, #tpu.memory_space<vmem>> -> memref<1x128xi32, #tpu.memory_space<vmem>>
    %dma_start3A_82 = tpu.memref_squeeze %dma_start3A_81 : memref<1x128xi32, #tpu.memory_space<vmem>> -> memref<128xi32, #tpu.memory_space<vmem>>
    %dma_start3A_83 = arith.constant 0 : i32
    %dma_start3A_84 = tpu.memref_slice %arg23[%dma_start3A_83] : memref<16384xf32, #tpu.memory_space<vmem_shared>> -> memref<16384xf32, #tpu.memory_space<vmem_shared>>
    tpu.enqueue_indirect_dma source(%dma_start3A_84 : memref<16384xf32, #tpu.memory_space<vmem_shared>>) target(%arg16 : memref<128xf32, #tpu.memory_space<vmem>>) offsets(%dma_start3A_82 : memref<128xi32, #tpu.memory_space<vmem>>) semaphore(%arg27 : memref<!tpu.dma_semaphore, #tpu.memory_space<semaphore_mem>>)
    %dma_start3A_85 = arith.constant 0 : i32
    %dma_start3A_86 = arith.constant 0 : i32
    %dma_start3A_87 = tpu.memref_slice %arg12[%dma_start3A_85, %dma_start3A_86] : memref<1x128xi32, #tpu.memory_space<vmem>> -> memref<1x128xi32, #tpu.memory_space<vmem>>
    %dma_start3A_88 = tpu.memref_squeeze %dma_start3A_87 : memref<1x128xi32, #tpu.memory_space<vmem>> -> memref<128xi32, #tpu.memory_space<vmem>>
    %dma_start3A_89 = arith.constant 0 : i32
    %dma_start3A_90 = tpu.memref_slice %arg24[%dma_start3A_89] : memref<16384xf32, #tpu.memory_space<vmem_shared>> -> memref<16384xf32, #tpu.memory_space<vmem_shared>>
    tpu.enqueue_indirect_dma source(%dma_start3A_90 : memref<16384xf32, #tpu.memory_space<vmem_shared>>) target(%arg17 : memref<128xf32, #tpu.memory_space<vmem>>) offsets(%dma_start3A_88 : memref<128xi32, #tpu.memory_space<vmem>>) semaphore(%arg27 : memref<!tpu.dma_semaphore, #tpu.memory_space<semaphore_mem>>)
    %dma_wait3A_91 = arith.constant 0 : i32
    %dma_wait3A_92 = arith.constant 0 : i32
    %dma_wait3A_93 = tpu.memref_slice %arg12[%dma_wait3A_91, %dma_wait3A_92] : memref<1x128xi32, #tpu.memory_space<vmem>> -> memref<1x128xi32, #tpu.memory_space<vmem>>
    %dma_wait3A_94 = tpu.memref_squeeze %dma_wait3A_93 : memref<1x128xi32, #tpu.memory_space<vmem>> -> memref<128xi32, #tpu.memory_space<vmem>>
    %dma_wait3A_95 = arith.constant 0 : i32
    %dma_wait3A_96 = tpu.memref_slice %arg23[%dma_wait3A_95] : memref<16384xf32, #tpu.memory_space<vmem_shared>> -> memref<16384xf32, #tpu.memory_space<vmem_shared>>
    tpu.wait_indirect_dma semaphore(%arg27 : memref<!tpu.dma_semaphore, #tpu.memory_space<semaphore_mem>>) src(%dma_wait3A_96 : memref<16384xf32, #tpu.memory_space<vmem_shared>>) dst(%arg16 : memref<128xf32, #tpu.memory_space<vmem>>)
    %dma_wait3A_97 = arith.constant 0 : i32
    %dma_wait3A_98 = arith.constant 0 : i32
    %dma_wait3A_99 = tpu.memref_slice %arg12[%dma_wait3A_97, %dma_wait3A_98] : memref<1x128xi32, #tpu.memory_space<vmem>> -> memref<1x128xi32, #tpu.memory_space<vmem>>
    %dma_wait3A_100 = tpu.memref_squeeze %dma_wait3A_99 : memref<1x128xi32, #tpu.memory_space<vmem>> -> memref<128xi32, #tpu.memory_space<vmem>>
    %dma_wait3A_101 = arith.constant 0 : i32
    %dma_wait3A_102 = tpu.memref_slice %arg24[%dma_wait3A_101] : memref<16384xf32, #tpu.memory_space<vmem_shared>> -> memref<16384xf32, #tpu.memory_space<vmem_shared>>
    tpu.wait_indirect_dma semaphore(%arg27 : memref<!tpu.dma_semaphore, #tpu.memory_space<semaphore_mem>>) src(%dma_wait3A_102 : memref<16384xf32, #tpu.memory_space<vmem_shared>>) dst(%arg17 : memref<128xf32, #tpu.memory_space<vmem>>)
    %get3A = arith.constant 0 : index
    %get3A_103 = tpu.vector_load %arg22[%get3A] {strides = array<i32>} : memref<16xi32, #tpu.memory_space<vmem>>, vector<16xi32>,
    %get3A_104 = vector.shape_cast %get3A_103 : vector<16xi32> to vector<16xi32>
    %ge3A = arith.constant 10 : i32
    %ge3A_105 = vector.broadcast %ge3A : i32 to vector<16xi32>
    %ge3A_106 = arith.cmpi sge, %get3A_104, %ge3A_105 : vector<16xi32>
    %jit3A = arith.constant 1.000000e+00 : f32
    %jit3A_107 = arith.constant 0.000000e+00 : f32
    %broadcast_in_dim3A_108 = vector.broadcast %jit3A : f32 to vector<16xf32>
    %broadcast_in_dim3A_109 = vector.broadcast %jit3A_107 : f32 to vector<16xf32>
    %select_n3A = arith.select %ge3A_106, %broadcast_in_dim3A_108, %broadcast_in_dim3A_109 : vector<16xi1>, vector<16xf32>
    %get3A_110 = arith.constant 0 : index
    %get3A_111 = tpu.vector_load %arg16[%get3A_110] {strides = array<i32>} : memref<128xf32, #tpu.memory_space<vmem>>, vector<16xf32>,
    %get3A_112 = vector.shape_cast %get3A_111 : vector<16xf32> to vector<16xf32>
    %get3A_113 = arith.constant 0 : index
    %get3A_114 = tpu.vector_load %arg17[%get3A_113] {strides = array<i32>} : memref<128xf32, #tpu.memory_space<vmem>>, vector<16xf32>,
    %get3A_115 = vector.shape_cast %get3A_114 : vector<16xf32> to vector<16xf32>
    %sub3A = arith.subf %get3A_115, %get3A_112 : vector<16xf32>
    %mul3A_116 = arith.mulf %select_n3A, %sub3A : vector<16xf32>
    %add3A_117 = arith.addf %get3A_112, %mul3A_116 : vector<16xf32>
    %swap3A_118 = arith.constant 0 : index
    %swap3A_119 = tpu.vector_load %arg18[%swap3A_118] {strides = array<i32>} : memref<128xf32, #tpu.memory_space<vmem>>, vector<16xf32>,
    %swap3A_120 = vector.shape_cast %swap3A_119 : vector<16xf32> to vector<16xf32>
    %swap3A_121 = vector.shape_cast %add3A_117 : vector<16xf32> to vector<16xf32>
    tpu.vector_store %arg18[%swap3A_118], %swap3A_121 {strides = array<i32>} : memref<128xf32, #tpu.memory_space<vmem>>, vector<16xf32>,
    %get3A_122 = arith.constant 16 : index
    %get3A_123 = tpu.vector_load %arg16[%get3A_122] {strides = array<i32>} : memref<128xf32, #tpu.memory_space<vmem>>, vector<16xf32>,
    %get3A_124 = vector.shape_cast %get3A_123 : vector<16xf32> to vector<16xf32>
    %get3A_125 = arith.constant 16 : index
    %get3A_126 = tpu.vector_load %arg17[%get3A_125] {strides = array<i32>} : memref<128xf32, #tpu.memory_space<vmem>>, vector<16xf32>,
    %get3A_127 = vector.shape_cast %get3A_126 : vector<16xf32> to vector<16xf32>
    %sub3A_128 = arith.subf %get3A_127, %get3A_124 : vector<16xf32>
    %mul3A_129 = arith.mulf %select_n3A, %sub3A_128 : vector<16xf32>
    %add3A_130 = arith.addf %get3A_124, %mul3A_129 : vector<16xf32>
    %swap3A_131 = arith.constant 16 : index
    %swap3A_132 = tpu.vector_load %arg18[%swap3A_131] {strides = array<i32>} : memref<128xf32, #tpu.memory_space<vmem>>, vector<16xf32>,
    %swap3A_133 = vector.shape_cast %swap3A_132 : vector<16xf32> to vector<16xf32>
    %swap3A_134 = vector.shape_cast %add3A_130 : vector<16xf32> to vector<16xf32>
    tpu.vector_store %arg18[%swap3A_131], %swap3A_134 {strides = array<i32>} : memref<128xf32, #tpu.memory_space<vmem>>, vector<16xf32>,
    %get3A_135 = arith.constant 32 : index
    %get3A_136 = tpu.vector_load %arg16[%get3A_135] {strides = array<i32>} : memref<128xf32, #tpu.memory_space<vmem>>, vector<16xf32>,
    %get3A_137 = vector.shape_cast %get3A_136 : vector<16xf32> to vector<16xf32>
    %get3A_138 = arith.constant 32 : index
    %get3A_139 = tpu.vector_load %arg17[%get3A_138] {strides = array<i32>} : memref<128xf32, #tpu.memory_space<vmem>>, vector<16xf32>,
    %get3A_140 = vector.shape_cast %get3A_139 : vector<16xf32> to vector<16xf32>
    %sub3A_141 = arith.subf %get3A_140, %get3A_137 : vector<16xf32>
    %mul3A_142 = arith.mulf %select_n3A, %sub3A_141 : vector<16xf32>
    %add3A_143 = arith.addf %get3A_137, %mul3A_142 : vector<16xf32>
    %swap3A_144 = arith.constant 32 : index
    %swap3A_145 = tpu.vector_load %arg18[%swap3A_144] {strides = array<i32>} : memref<128xf32, #tpu.memory_space<vmem>>, vector<16xf32>,
    %swap3A_146 = vector.shape_cast %swap3A_145 : vector<16xf32> to vector<16xf32>
    %swap3A_147 = vector.shape_cast %add3A_143 : vector<16xf32> to vector<16xf32>
    tpu.vector_store %arg18[%swap3A_144], %swap3A_147 {strides = array<i32>} : memref<128xf32, #tpu.memory_space<vmem>>, vector<16xf32>,
    %get3A_148 = arith.constant 48 : index
    %get3A_149 = tpu.vector_load %arg16[%get3A_148] {strides = array<i32>} : memref<128xf32, #tpu.memory_space<vmem>>, vector<16xf32>,
    %get3A_150 = vector.shape_cast %get3A_149 : vector<16xf32> to vector<16xf32>
    %get3A_151 = arith.constant 48 : index
    %get3A_152 = tpu.vector_load %arg17[%get3A_151] {strides = array<i32>} : memref<128xf32, #tpu.memory_space<vmem>>, vector<16xf32>,
    %get3A_153 = vector.shape_cast %get3A_152 : vector<16xf32> to vector<16xf32>
    %sub3A_154 = arith.subf %get3A_153, %get3A_150 : vector<16xf32>
    %mul3A_155 = arith.mulf %select_n3A, %sub3A_154 : vector<16xf32>
    %add3A_156 = arith.addf %get3A_150, %mul3A_155 : vector<16xf32>
    %swap3A_157 = arith.constant 48 : index
    %swap3A_158 = tpu.vector_load %arg18[%swap3A_157] {strides = array<i32>} : memref<128xf32, #tpu.memory_space<vmem>>, vector<16xf32>,
    %swap3A_159 = vector.shape_cast %swap3A_158 : vector<16xf32> to vector<16xf32>
    %swap3A_160 = vector.shape_cast %add3A_156 : vector<16xf32> to vector<16xf32>
    tpu.vector_store %arg18[%swap3A_157], %swap3A_160 {strides = array<i32>} : memref<128xf32, #tpu.memory_space<vmem>>, vector<16xf32>,
    %get3A_161 = arith.constant 64 : index
    %get3A_162 = tpu.vector_load %arg16[%get3A_161] {strides = array<i32>} : memref<128xf32, #tpu.memory_space<vmem>>, vector<16xf32>,
    %get3A_163 = vector.shape_cast %get3A_162 : vector<16xf32> to vector<16xf32>
    %get3A_164 = arith.constant 64 : index
    %get3A_165 = tpu.vector_load %arg17[%get3A_164] {strides = array<i32>} : memref<128xf32, #tpu.memory_space<vmem>>, vector<16xf32>,
    %get3A_166 = vector.shape_cast %get3A_165 : vector<16xf32> to vector<16xf32>
    %sub3A_167 = arith.subf %get3A_166, %get3A_163 : vector<16xf32>
    %mul3A_168 = arith.mulf %select_n3A, %sub3A_167 : vector<16xf32>
    %add3A_169 = arith.addf %get3A_163, %mul3A_168 : vector<16xf32>
    %swap3A_170 = arith.constant 64 : index
    %swap3A_171 = tpu.vector_load %arg18[%swap3A_170] {strides = array<i32>} : memref<128xf32, #tpu.memory_space<vmem>>, vector<16xf32>,
    %swap3A_172 = vector.shape_cast %swap3A_171 : vector<16xf32> to vector<16xf32>
    %swap3A_173 = vector.shape_cast %add3A_169 : vector<16xf32> to vector<16xf32>
    tpu.vector_store %arg18[%swap3A_170], %swap3A_173 {strides = array<i32>} : memref<128xf32, #tpu.memory_space<vmem>>, vector<16xf32>,
    %get3A_174 = arith.constant 80 : index
    %get3A_175 = tpu.vector_load %arg16[%get3A_174] {strides = array<i32>} : memref<128xf32, #tpu.memory_space<vmem>>, vector<16xf32>,
    %get3A_176 = vector.shape_cast %get3A_175 : vector<16xf32> to vector<16xf32>
    %get3A_177 = arith.constant 80 : index
    %get3A_178 = tpu.vector_load %arg17[%get3A_177] {strides = array<i32>} : memref<128xf32, #tpu.memory_space<vmem>>, vector<16xf32>,
    %get3A_179 = vector.shape_cast %get3A_178 : vector<16xf32> to vector<16xf32>
    %sub3A_180 = arith.subf %get3A_179, %get3A_176 : vector<16xf32>
    %mul3A_181 = arith.mulf %select_n3A, %sub3A_180 : vector<16xf32>
    %add3A_182 = arith.addf %get3A_176, %mul3A_181 : vector<16xf32>
    %swap3A_183 = arith.constant 80 : index
    %swap3A_184 = tpu.vector_load %arg18[%swap3A_183] {strides = array<i32>} : memref<128xf32, #tpu.memory_space<vmem>>, vector<16xf32>,
    %swap3A_185 = vector.shape_cast %swap3A_184 : vector<16xf32> to vector<16xf32>
    %swap3A_186 = vector.shape_cast %add3A_182 : vector<16xf32> to vector<16xf32>
    tpu.vector_store %arg18[%swap3A_183], %swap3A_186 {strides = array<i32>} : memref<128xf32, #tpu.memory_space<vmem>>, vector<16xf32>,
    %get3A_187 = arith.constant 96 : index
    %get3A_188 = tpu.vector_load %arg16[%get3A_187] {strides = array<i32>} : memref<128xf32, #tpu.memory_space<vmem>>, vector<16xf32>,
    %get3A_189 = vector.shape_cast %get3A_188 : vector<16xf32> to vector<16xf32>
    %get3A_190 = arith.constant 96 : index
    %get3A_191 = tpu.vector_load %arg17[%get3A_190] {strides = array<i32>} : memref<128xf32, #tpu.memory_space<vmem>>, vector<16xf32>,
    %get3A_192 = vector.shape_cast %get3A_191 : vector<16xf32> to vector<16xf32>
    %sub3A_193 = arith.subf %get3A_192, %get3A_189 : vector<16xf32>
    %mul3A_194 = arith.mulf %select_n3A, %sub3A_193 : vector<16xf32>
    %add3A_195 = arith.addf %get3A_189, %mul3A_194 : vector<16xf32>
    %swap3A_196 = arith.constant 96 : index
    %swap3A_197 = tpu.vector_load %arg18[%swap3A_196] {strides = array<i32>} : memref<128xf32, #tpu.memory_space<vmem>>, vector<16xf32>,
    %swap3A_198 = vector.shape_cast %swap3A_197 : vector<16xf32> to vector<16xf32>
    %swap3A_199 = vector.shape_cast %add3A_195 : vector<16xf32> to vector<16xf32>
    tpu.vector_store %arg18[%swap3A_196], %swap3A_199 {strides = array<i32>} : memref<128xf32, #tpu.memory_space<vmem>>, vector<16xf32>,
    %get3A_200 = arith.constant 112 : index
    %get3A_201 = tpu.vector_load %arg16[%get3A_200] {strides = array<i32>} : memref<128xf32, #tpu.memory_space<vmem>>, vector<16xf32>,
    %get3A_202 = vector.shape_cast %get3A_201 : vector<16xf32> to vector<16xf32>
    %get3A_203 = arith.constant 112 : index
    %get3A_204 = tpu.vector_load %arg17[%get3A_203] {strides = array<i32>} : memref<128xf32, #tpu.memory_space<vmem>>, vector<16xf32>,
    %get3A_205 = vector.shape_cast %get3A_204 : vector<16xf32> to vector<16xf32>
    %sub3A_206 = arith.subf %get3A_205, %get3A_202 : vector<16xf32>
    %mul3A_207 = arith.mulf %select_n3A, %sub3A_206 : vector<16xf32>
    %add3A_208 = arith.addf %get3A_202, %mul3A_207 : vector<16xf32>
    %swap3A_209 = arith.constant 112 : index
    %swap3A_210 = tpu.vector_load %arg18[%swap3A_209] {strides = array<i32>} : memref<128xf32, #tpu.memory_space<vmem>>, vector<16xf32>,
    %swap3A_211 = vector.shape_cast %swap3A_210 : vector<16xf32> to vector<16xf32>
    %swap3A_212 = vector.shape_cast %add3A_208 : vector<16xf32> to vector<16xf32>
    tpu.vector_store %arg18[%swap3A_209], %swap3A_212 {strides = array<i32>} : memref<128xf32, #tpu.memory_space<vmem>>, vector<16xf32>,
    %run_scoped3A = arith.constant 0 : i32
    "tpu.region"() ({
      %run_scoped3A_358 = tpu.sem_alloc : memref<!tpu.dma_semaphore, #tpu.memory_space<semaphore_mem>>
      %dma_start3A_359 = arith.constant 0 : i32
      %dma_start3A_360 = tpu.memref_slice %arg12[%run_scoped3A, %dma_start3A_359] : memref<1x128xi32, #tpu.memory_space<vmem>> -> memref<1x128xi32, #tpu.memory_space<vmem>>
      %dma_start3A_361 = tpu.memref_squeeze %dma_start3A_360 : memref<1x128xi32, #tpu.memory_space<vmem>> -> memref<128xi32, #tpu.memory_space<vmem>>
      %dma_start3A_362 = arith.constant 0 : i32
      %dma_start3A_363 = tpu.memref_slice %arg23[%dma_start3A_362] : memref<16384xf32, #tpu.memory_space<vmem_shared>> -> memref<16384xf32, #tpu.memory_space<vmem_shared>>
      tpu.enqueue_indirect_dma source(%arg18 : memref<128xf32, #tpu.memory_space<vmem>>) target(%dma_start3A_363 : memref<16384xf32, #tpu.memory_space<vmem_shared>>) offsets(%dma_start3A_361 : memref<128xi32, #tpu.memory_space<vmem>>) semaphore(%run_scoped3A_358 : memref<!tpu.dma_semaphore, #tpu.memory_space<semaphore_mem>>)
      %dma_wait3A_364 = arith.constant 0 : i32
      %dma_wait3A_365 = tpu.memref_slice %arg12[%run_scoped3A, %dma_wait3A_364] : memref<1x128xi32, #tpu.memory_space<vmem>> -> memref<1x128xi32, #tpu.memory_space<vmem>>
      %dma_wait3A_366 = tpu.memref_squeeze %dma_wait3A_365 : memref<1x128xi32, #tpu.memory_space<vmem>> -> memref<128xi32, #tpu.memory_space<vmem>>
      %dma_wait3A_367 = arith.constant 0 : i32
      %dma_wait3A_368 = tpu.memref_slice %arg23[%dma_wait3A_367] : memref<16384xf32, #tpu.memory_space<vmem_shared>> -> memref<16384xf32, #tpu.memory_space<vmem_shared>>
      tpu.wait_indirect_dma semaphore(%run_scoped3A_358 : memref<!tpu.dma_semaphore, #tpu.memory_space<semaphore_mem>>) src(%arg18 : memref<128xf32, #tpu.memory_space<vmem>>) dst(%dma_wait3A_368 : memref<16384xf32, #tpu.memory_space<vmem_shared>>)
      tpu.yield
    }) : () -> ()
    %barrier3A_213 = arith.constant 0 : index
    tpu.barrier barrier_id(%barrier3A_213)
    %dma_start3A_214 = arith.constant 0 : i32
    %dma_start3A_215 = arith.constant 0 : i32
    %dma_start3A_216 = tpu.memref_slice %arg15[%dma_start3A_215] : memref<1024xf32, #tpu.memory_space<vmem>> -> memref<128xf32, #tpu.memory_space<vmem>>
    %dma_start3A_217 = arith.constant 0 : i32
    %dma_start3A_218 = tpu.memref_slice %arg13[%dma_start3A_214, %dma_start3A_217] : memref<4x128xi32, #tpu.memory_space<vmem>> -> memref<1x128xi32, #tpu.memory_space<vmem>>
    %dma_start3A_219 = tpu.memref_squeeze %dma_start3A_218 : memref<1x128xi32, #tpu.memory_space<vmem>> -> memref<128xi32, #tpu.memory_space<vmem>>
    %dma_start3A_220 = arith.constant 0 : i32
    %dma_start3A_221 = tpu.memref_slice %arg23[%dma_start3A_220] : memref<16384xf32, #tpu.memory_space<vmem_shared>> -> memref<16384xf32, #tpu.memory_space<vmem_shared>>
    tpu.enqueue_indirect_dma source(%dma_start3A_221 : memref<16384xf32, #tpu.memory_space<vmem_shared>>) target(%dma_start3A_216 : memref<128xf32, #tpu.memory_space<vmem>>) offsets(%dma_start3A_219 : memref<128xi32, #tpu.memory_space<vmem>>) semaphore(%arg27 : memref<!tpu.dma_semaphore, #tpu.memory_space<semaphore_mem>>)
    %dma_start3A_222 = arith.constant 0 : i32
    %dma_start3A_223 = arith.constant 512 : i32
    %dma_start3A_224 = tpu.memref_slice %arg15[%dma_start3A_223] : memref<1024xf32, #tpu.memory_space<vmem>> -> memref<128xf32, #tpu.memory_space<vmem>>
    %dma_start3A_225 = arith.constant 0 : i32
    %dma_start3A_226 = tpu.memref_slice %arg14[%dma_start3A_222, %dma_start3A_225] : memref<4x128xi32, #tpu.memory_space<vmem>> -> memref<1x128xi32, #tpu.memory_space<vmem>>
    %dma_start3A_227 = tpu.memref_squeeze %dma_start3A_226 : memref<1x128xi32, #tpu.memory_space<vmem>> -> memref<128xi32, #tpu.memory_space<vmem>>
    %dma_start3A_228 = arith.constant 0 : i32
    %dma_start3A_229 = tpu.memref_slice %arg23[%dma_start3A_228] : memref<16384xf32, #tpu.memory_space<vmem_shared>> -> memref<16384xf32, #tpu.memory_space<vmem_shared>>
    tpu.enqueue_indirect_dma source(%dma_start3A_229 : memref<16384xf32, #tpu.memory_space<vmem_shared>>) target(%dma_start3A_224 : memref<128xf32, #tpu.memory_space<vmem>>) offsets(%dma_start3A_227 : memref<128xi32, #tpu.memory_space<vmem>>) semaphore(%arg27 : memref<!tpu.dma_semaphore, #tpu.memory_space<semaphore_mem>>)
    %dma_start3A_230 = arith.constant 1 : i32
    %dma_start3A_231 = arith.constant 128 : i32
    %dma_start3A_232 = tpu.memref_slice %arg15[%dma_start3A_231] : memref<1024xf32, #tpu.memory_space<vmem>> -> memref<128xf32, #tpu.memory_space<vmem>>
    %dma_start3A_233 = arith.constant 0 : i32
    %dma_start3A_234 = tpu.memref_slice %arg13[%dma_start3A_230, %dma_start3A_233] : memref<4x128xi32, #tpu.memory_space<vmem>> -> memref<1x128xi32, #tpu.memory_space<vmem>>
    %dma_start3A_235 = tpu.memref_squeeze %dma_start3A_234 : memref<1x128xi32, #tpu.memory_space<vmem>> -> memref<128xi32, #tpu.memory_space<vmem>>
    %dma_start3A_236 = arith.constant 0 : i32
    %dma_start3A_237 = tpu.memref_slice %arg23[%dma_start3A_236] : memref<16384xf32, #tpu.memory_space<vmem_shared>> -> memref<16384xf32, #tpu.memory_space<vmem_shared>>
    tpu.enqueue_indirect_dma source(%dma_start3A_237 : memref<16384xf32, #tpu.memory_space<vmem_shared>>) target(%dma_start3A_232 : memref<128xf32, #tpu.memory_space<vmem>>) offsets(%dma_start3A_235 : memref<128xi32, #tpu.memory_space<vmem>>) semaphore(%arg27 : memref<!tpu.dma_semaphore, #tpu.memory_space<semaphore_mem>>)
    %dma_start3A_238 = arith.constant 1 : i32
    %dma_start3A_239 = arith.constant 640 : i32
    %dma_start3A_240 = tpu.memref_slice %arg15[%dma_start3A_239] : memref<1024xf32, #tpu.memory_space<vmem>> -> memref<128xf32, #tpu.memory_space<vmem>>
    %dma_start3A_241 = arith.constant 0 : i32
    %dma_start3A_242 = tpu.memref_slice %arg14[%dma_start3A_238, %dma_start3A_241] : memref<4x128xi32, #tpu.memory_space<vmem>> -> memref<1x128xi32, #tpu.memory_space<vmem>>
    %dma_start3A_243 = tpu.memref_squeeze %dma_start3A_242 : memref<1x128xi32, #tpu.memory_space<vmem>> -> memref<128xi32, #tpu.memory_space<vmem>>
    %dma_start3A_244 = arith.constant 0 : i32
    %dma_start3A_245 = tpu.memref_slice %arg23[%dma_start3A_244] : memref<16384xf32, #tpu.memory_space<vmem_shared>> -> memref<16384xf32, #tpu.memory_space<vmem_shared>>
    tpu.enqueue_indirect_dma source(%dma_start3A_245 : memref<16384xf32, #tpu.memory_space<vmem_shared>>) target(%dma_start3A_240 : memref<128xf32, #tpu.memory_space<vmem>>) offsets(%dma_start3A_243 : memref<128xi32, #tpu.memory_space<vmem>>) semaphore(%arg27 : memref<!tpu.dma_semaphore, #tpu.memory_space<semaphore_mem>>)
    %dma_start3A_246 = arith.constant 2 : i32
    %dma_start3A_247 = arith.constant 256 : i32
    %dma_start3A_248 = tpu.memref_slice %arg15[%dma_start3A_247] : memref<1024xf32, #tpu.memory_space<vmem>> -> memref<128xf32, #tpu.memory_space<vmem>>
    %dma_start3A_249 = arith.constant 0 : i32
    %dma_start3A_250 = tpu.memref_slice %arg13[%dma_start3A_246, %dma_start3A_249] : memref<4x128xi32, #tpu.memory_space<vmem>> -> memref<1x128xi32, #tpu.memory_space<vmem>>
    %dma_start3A_251 = tpu.memref_squeeze %dma_start3A_250 : memref<1x128xi32, #tpu.memory_space<vmem>> -> memref<128xi32, #tpu.memory_space<vmem>>
    %dma_start3A_252 = arith.constant 0 : i32
    %dma_start3A_253 = tpu.memref_slice %arg23[%dma_start3A_252] : memref<16384xf32, #tpu.memory_space<vmem_shared>> -> memref<16384xf32, #tpu.memory_space<vmem_shared>>
    tpu.enqueue_indirect_dma source(%dma_start3A_253 : memref<16384xf32, #tpu.memory_space<vmem_shared>>) target(%dma_start3A_248 : memref<128xf32, #tpu.memory_space<vmem>>) offsets(%dma_start3A_251 : memref<128xi32, #tpu.memory_space<vmem>>) semaphore(%arg27 : memref<!tpu.dma_semaphore, #tpu.memory_space<semaphore_mem>>)
    %dma_start3A_254 = arith.constant 2 : i32
    %dma_start3A_255 = arith.constant 768 : i32
    %dma_start3A_256 = tpu.memref_slice %arg15[%dma_start3A_255] : memref<1024xf32, #tpu.memory_space<vmem>> -> memref<128xf32, #tpu.memory_space<vmem>>
    %dma_start3A_257 = arith.constant 0 : i32
    %dma_start3A_258 = tpu.memref_slice %arg14[%dma_start3A_254, %dma_start3A_257] : memref<4x128xi32, #tpu.memory_space<vmem>> -> memref<1x128xi32, #tpu.memory_space<vmem>>
    %dma_start3A_259 = tpu.memref_squeeze %dma_start3A_258 : memref<1x128xi32, #tpu.memory_space<vmem>> -> memref<128xi32, #tpu.memory_space<vmem>>
    %dma_start3A_260 = arith.constant 0 : i32
    %dma_start3A_261 = tpu.memref_slice %arg23[%dma_start3A_260] : memref<16384xf32, #tpu.memory_space<vmem_shared>> -> memref<16384xf32, #tpu.memory_space<vmem_shared>>
    tpu.enqueue_indirect_dma source(%dma_start3A_261 : memref<16384xf32, #tpu.memory_space<vmem_shared>>) target(%dma_start3A_256 : memref<128xf32, #tpu.memory_space<vmem>>) offsets(%dma_start3A_259 : memref<128xi32, #tpu.memory_space<vmem>>) semaphore(%arg27 : memref<!tpu.dma_semaphore, #tpu.memory_space<semaphore_mem>>)
    %dma_start3A_262 = arith.constant 3 : i32
    %dma_start3A_263 = arith.constant 384 : i32
    %dma_start3A_264 = tpu.memref_slice %arg15[%dma_start3A_263] : memref<1024xf32, #tpu.memory_space<vmem>> -> memref<128xf32, #tpu.memory_space<vmem>>
    %dma_start3A_265 = arith.constant 0 : i32
    %dma_start3A_266 = tpu.memref_slice %arg13[%dma_start3A_262, %dma_start3A_265] : memref<4x128xi32, #tpu.memory_space<vmem>> -> memref<1x128xi32, #tpu.memory_space<vmem>>
    %dma_start3A_267 = tpu.memref_squeeze %dma_start3A_266 : memref<1x128xi32, #tpu.memory_space<vmem>> -> memref<128xi32, #tpu.memory_space<vmem>>
    %dma_start3A_268 = arith.constant 0 : i32
    %dma_start3A_269 = tpu.memref_slice %arg23[%dma_start3A_268] : memref<16384xf32, #tpu.memory_space<vmem_shared>> -> memref<16384xf32, #tpu.memory_space<vmem_shared>>
    tpu.enqueue_indirect_dma source(%dma_start3A_269 : memref<16384xf32, #tpu.memory_space<vmem_shared>>) target(%dma_start3A_264 : memref<128xf32, #tpu.memory_space<vmem>>) offsets(%dma_start3A_267 : memref<128xi32, #tpu.memory_space<vmem>>) semaphore(%arg27 : memref<!tpu.dma_semaphore, #tpu.memory_space<semaphore_mem>>)
    %dma_start3A_270 = arith.constant 3 : i32
    %dma_start3A_271 = arith.constant 896 : i32
    %dma_start3A_272 = tpu.memref_slice %arg15[%dma_start3A_271] : memref<1024xf32, #tpu.memory_space<vmem>> -> memref<128xf32, #tpu.memory_space<vmem>>
    %dma_start3A_273 = arith.constant 0 : i32
    %dma_start3A_274 = tpu.memref_slice %arg14[%dma_start3A_270, %dma_start3A_273] : memref<4x128xi32, #tpu.memory_space<vmem>> -> memref<1x128xi32, #tpu.memory_space<vmem>>
    %dma_start3A_275 = tpu.memref_squeeze %dma_start3A_274 : memref<1x128xi32, #tpu.memory_space<vmem>> -> memref<128xi32, #tpu.memory_space<vmem>>
    %dma_start3A_276 = arith.constant 0 : i32
    %dma_start3A_277 = tpu.memref_slice %arg23[%dma_start3A_276] : memref<16384xf32, #tpu.memory_space<vmem_shared>> -> memref<16384xf32, #tpu.memory_space<vmem_shared>>
    tpu.enqueue_indirect_dma source(%dma_start3A_277 : memref<16384xf32, #tpu.memory_space<vmem_shared>>) target(%dma_start3A_272 : memref<128xf32, #tpu.memory_space<vmem>>) offsets(%dma_start3A_275 : memref<128xi32, #tpu.memory_space<vmem>>) semaphore(%arg27 : memref<!tpu.dma_semaphore, #tpu.memory_space<semaphore_mem>>)
    %dma_wait3A_278 = arith.constant 0 : i32
    %dma_wait3A_279 = arith.constant 0 : i32
    %dma_wait3A_280 = tpu.memref_slice %arg15[%dma_wait3A_279] : memref<1024xf32, #tpu.memory_space<vmem>> -> memref<128xf32, #tpu.memory_space<vmem>>
    %dma_wait3A_281 = arith.constant 0 : i32
    %dma_wait3A_282 = tpu.memref_slice %arg13[%dma_wait3A_278, %dma_wait3A_281] : memref<4x128xi32, #tpu.memory_space<vmem>> -> memref<1x128xi32, #tpu.memory_space<vmem>>
    %dma_wait3A_283 = tpu.memref_squeeze %dma_wait3A_282 : memref<1x128xi32, #tpu.memory_space<vmem>> -> memref<128xi32, #tpu.memory_space<vmem>>
    %dma_wait3A_284 = arith.constant 0 : i32
    %dma_wait3A_285 = tpu.memref_slice %arg23[%dma_wait3A_284] : memref<16384xf32, #tpu.memory_space<vmem_shared>> -> memref<16384xf32, #tpu.memory_space<vmem_shared>>
    tpu.wait_indirect_dma semaphore(%arg27 : memref<!tpu.dma_semaphore, #tpu.memory_space<semaphore_mem>>) src(%dma_wait3A_285 : memref<16384xf32, #tpu.memory_space<vmem_shared>>) dst(%dma_wait3A_280 : memref<128xf32, #tpu.memory_space<vmem>>)
    %dma_wait3A_286 = arith.constant 0 : i32
    %dma_wait3A_287 = arith.constant 512 : i32
    %dma_wait3A_288 = tpu.memref_slice %arg15[%dma_wait3A_287] : memref<1024xf32, #tpu.memory_space<vmem>> -> memref<128xf32, #tpu.memory_space<vmem>>
    %dma_wait3A_289 = arith.constant 0 : i32
    %dma_wait3A_290 = tpu.memref_slice %arg14[%dma_wait3A_286, %dma_wait3A_289] : memref<4x128xi32, #tpu.memory_space<vmem>> -> memref<1x128xi32, #tpu.memory_space<vmem>>
    %dma_wait3A_291 = tpu.memref_squeeze %dma_wait3A_290 : memref<1x128xi32, #tpu.memory_space<vmem>> -> memref<128xi32, #tpu.memory_space<vmem>>
    %dma_wait3A_292 = arith.constant 0 : i32
    %dma_wait3A_293 = tpu.memref_slice %arg23[%dma_wait3A_292] : memref<16384xf32, #tpu.memory_space<vmem_shared>> -> memref<16384xf32, #tpu.memory_space<vmem_shared>>
    tpu.wait_indirect_dma semaphore(%arg27 : memref<!tpu.dma_semaphore, #tpu.memory_space<semaphore_mem>>) src(%dma_wait3A_293 : memref<16384xf32, #tpu.memory_space<vmem_shared>>) dst(%dma_wait3A_288 : memref<128xf32, #tpu.memory_space<vmem>>)
    %dma_wait3A_294 = arith.constant 1 : i32
    %dma_wait3A_295 = arith.constant 128 : i32
    %dma_wait3A_296 = tpu.memref_slice %arg15[%dma_wait3A_295] : memref<1024xf32, #tpu.memory_space<vmem>> -> memref<128xf32, #tpu.memory_space<vmem>>
    %dma_wait3A_297 = arith.constant 0 : i32
    %dma_wait3A_298 = tpu.memref_slice %arg13[%dma_wait3A_294, %dma_wait3A_297] : memref<4x128xi32, #tpu.memory_space<vmem>> -> memref<1x128xi32, #tpu.memory_space<vmem>>
    %dma_wait3A_299 = tpu.memref_squeeze %dma_wait3A_298 : memref<1x128xi32, #tpu.memory_space<vmem>> -> memref<128xi32, #tpu.memory_space<vmem>>
    %dma_wait3A_300 = arith.constant 0 : i32
    %dma_wait3A_301 = tpu.memref_slice %arg23[%dma_wait3A_300] : memref<16384xf32, #tpu.memory_space<vmem_shared>> -> memref<16384xf32, #tpu.memory_space<vmem_shared>>
    tpu.wait_indirect_dma semaphore(%arg27 : memref<!tpu.dma_semaphore, #tpu.memory_space<semaphore_mem>>) src(%dma_wait3A_301 : memref<16384xf32, #tpu.memory_space<vmem_shared>>) dst(%dma_wait3A_296 : memref<128xf32, #tpu.memory_space<vmem>>)
    %dma_wait3A_302 = arith.constant 1 : i32
    %dma_wait3A_303 = arith.constant 640 : i32
    %dma_wait3A_304 = tpu.memref_slice %arg15[%dma_wait3A_303] : memref<1024xf32, #tpu.memory_space<vmem>> -> memref<128xf32, #tpu.memory_space<vmem>>
    %dma_wait3A_305 = arith.constant 0 : i32
    %dma_wait3A_306 = tpu.memref_slice %arg14[%dma_wait3A_302, %dma_wait3A_305] : memref<4x128xi32, #tpu.memory_space<vmem>> -> memref<1x128xi32, #tpu.memory_space<vmem>>
    %dma_wait3A_307 = tpu.memref_squeeze %dma_wait3A_306 : memref<1x128xi32, #tpu.memory_space<vmem>> -> memref<128xi32, #tpu.memory_space<vmem>>
    %dma_wait3A_308 = arith.constant 0 : i32
    %dma_wait3A_309 = tpu.memref_slice %arg23[%dma_wait3A_308] : memref<16384xf32, #tpu.memory_space<vmem_shared>> -> memref<16384xf32, #tpu.memory_space<vmem_shared>>
    tpu.wait_indirect_dma semaphore(%arg27 : memref<!tpu.dma_semaphore, #tpu.memory_space<semaphore_mem>>) src(%dma_wait3A_309 : memref<16384xf32, #tpu.memory_space<vmem_shared>>) dst(%dma_wait3A_304 : memref<128xf32, #tpu.memory_space<vmem>>)
    %dma_wait3A_310 = arith.constant 2 : i32
    %dma_wait3A_311 = arith.constant 256 : i32
    %dma_wait3A_312 = tpu.memref_slice %arg15[%dma_wait3A_311] : memref<1024xf32, #tpu.memory_space<vmem>> -> memref<128xf32, #tpu.memory_space<vmem>>
    %dma_wait3A_313 = arith.constant 0 : i32
    %dma_wait3A_314 = tpu.memref_slice %arg13[%dma_wait3A_310, %dma_wait3A_313] : memref<4x128xi32, #tpu.memory_space<vmem>> -> memref<1x128xi32, #tpu.memory_space<vmem>>
    %dma_wait3A_315 = tpu.memref_squeeze %dma_wait3A_314 : memref<1x128xi32, #tpu.memory_space<vmem>> -> memref<128xi32, #tpu.memory_space<vmem>>
    %dma_wait3A_316 = arith.constant 0 : i32
    %dma_wait3A_317 = tpu.memref_slice %arg23[%dma_wait3A_316] : memref<16384xf32, #tpu.memory_space<vmem_shared>> -> memref<16384xf32, #tpu.memory_space<vmem_shared>>
    tpu.wait_indirect_dma semaphore(%arg27 : memref<!tpu.dma_semaphore, #tpu.memory_space<semaphore_mem>>) src(%dma_wait3A_317 : memref<16384xf32, #tpu.memory_space<vmem_shared>>) dst(%dma_wait3A_312 : memref<128xf32, #tpu.memory_space<vmem>>)
    %dma_wait3A_318 = arith.constant 2 : i32
    %dma_wait3A_319 = arith.constant 768 : i32
    %dma_wait3A_320 = tpu.memref_slice %arg15[%dma_wait3A_319] : memref<1024xf32, #tpu.memory_space<vmem>> -> memref<128xf32, #tpu.memory_space<vmem>>
    %dma_wait3A_321 = arith.constant 0 : i32
    %dma_wait3A_322 = tpu.memref_slice %arg14[%dma_wait3A_318, %dma_wait3A_321] : memref<4x128xi32, #tpu.memory_space<vmem>> -> memref<1x128xi32, #tpu.memory_space<vmem>>
    %dma_wait3A_323 = tpu.memref_squeeze %dma_wait3A_322 : memref<1x128xi32, #tpu.memory_space<vmem>> -> memref<128xi32, #tpu.memory_space<vmem>>
    %dma_wait3A_324 = arith.constant 0 : i32
    %dma_wait3A_325 = tpu.memref_slice %arg23[%dma_wait3A_324] : memref<16384xf32, #tpu.memory_space<vmem_shared>> -> memref<16384xf32, #tpu.memory_space<vmem_shared>>
    tpu.wait_indirect_dma semaphore(%arg27 : memref<!tpu.dma_semaphore, #tpu.memory_space<semaphore_mem>>) src(%dma_wait3A_325 : memref<16384xf32, #tpu.memory_space<vmem_shared>>) dst(%dma_wait3A_320 : memref<128xf32, #tpu.memory_space<vmem>>)
    %dma_wait3A_326 = arith.constant 3 : i32
    %dma_wait3A_327 = arith.constant 384 : i32
    %dma_wait3A_328 = tpu.memref_slice %arg15[%dma_wait3A_327] : memref<1024xf32, #tpu.memory_space<vmem>> -> memref<128xf32, #tpu.memory_space<vmem>>
    %dma_wait3A_329 = arith.constant 0 : i32
    %dma_wait3A_330 = tpu.memref_slice %arg13[%dma_wait3A_326, %dma_wait3A_329] : memref<4x128xi32, #tpu.memory_space<vmem>> -> memref<1x128xi32, #tpu.memory_space<vmem>>
    %dma_wait3A_331 = tpu.memref_squeeze %dma_wait3A_330 : memref<1x128xi32, #tpu.memory_space<vmem>> -> memref<128xi32, #tpu.memory_space<vmem>>
    %dma_wait3A_332 = arith.constant 0 : i32
    %dma_wait3A_333 = tpu.memref_slice %arg23[%dma_wait3A_332] : memref<16384xf32, #tpu.memory_space<vmem_shared>> -> memref<16384xf32, #tpu.memory_space<vmem_shared>>
    tpu.wait_indirect_dma semaphore(%arg27 : memref<!tpu.dma_semaphore, #tpu.memory_space<semaphore_mem>>) src(%dma_wait3A_333 : memref<16384xf32, #tpu.memory_space<vmem_shared>>) dst(%dma_wait3A_328 : memref<128xf32, #tpu.memory_space<vmem>>)
    %dma_wait3A_334 = arith.constant 3 : i32
    %dma_wait3A_335 = arith.constant 896 : i32
    %dma_wait3A_336 = tpu.memref_slice %arg15[%dma_wait3A_335] : memref<1024xf32, #tpu.memory_space<vmem>> -> memref<128xf32, #tpu.memory_space<vmem>>
    %dma_wait3A_337 = arith.constant 0 : i32
    %dma_wait3A_338 = tpu.memref_slice %arg14[%dma_wait3A_334, %dma_wait3A_337] : memref<4x128xi32, #tpu.memory_space<vmem>> -> memref<1x128xi32, #tpu.memory_space<vmem>>
    %dma_wait3A_339 = tpu.memref_squeeze %dma_wait3A_338 : memref<1x128xi32, #tpu.memory_space<vmem>> -> memref<128xi32, #tpu.memory_space<vmem>>
    %dma_wait3A_340 = arith.constant 0 : i32
    %dma_wait3A_341 = tpu.memref_slice %arg23[%dma_wait3A_340] : memref<16384xf32, #tpu.memory_space<vmem_shared>> -> memref<16384xf32, #tpu.memory_space<vmem_shared>>
    tpu.wait_indirect_dma semaphore(%arg27 : memref<!tpu.dma_semaphore, #tpu.memory_space<semaphore_mem>>) src(%dma_wait3A_341 : memref<16384xf32, #tpu.memory_space<vmem_shared>>) dst(%dma_wait3A_336 : memref<128xf32, #tpu.memory_space<vmem>>)
    %scan3A_342 = arith.constant 0 : i32
    %scan3A_343 = arith.constant 64 : i32
    %scan3A_344 = arith.addi %scan3A_342, %scan3A_343 : i32
    %scan3A_345 = arith.constant 1 : i32
    %scan3A_346 = scf.for %scan3A_358 = %scan3A_342 to %scan3A_344 step %scan3A_345 iter_args(%scan3A_359 = %broadcast_in_dim3A_37) -> (vector<16xf32>)  : i32 {
      %mul3A_360 = arith.constant 16 : i32
      %mul3A_361 = arith.muli %scan3A_358, %mul3A_360 : i32
      %get3A_362 = arith.index_cast %mul3A_361 : i32 to index
      %get3A_363 = tpu.vector_load %arg15[%get3A_362] {strides = array<i32>} : memref<1024xf32, #tpu.memory_space<vmem>>, vector<16xf32>,
      %get3A_364 = vector.shape_cast %get3A_363 : vector<16xf32> to vector<16xf32>
      %add3A_365 = arith.addf %scan3A_359, %get3A_364 : vector<16xf32>
      scf.yield %add3A_365 : vector<16xf32>
    }
    %scan3A_347 = arith.constant 64 : i32
    %swap3A_348 = arith.constant 0 : index
    %swap3A_349 = tpu.vector_load %arg20[%swap3A_348] {strides = array<i32>} : memref<16xf32, #tpu.memory_space<vmem>>, vector<16xf32>,
    %swap3A_350 = vector.shape_cast %swap3A_349 : vector<16xf32> to vector<16xf32>
    %swap3A_351 = vector.shape_cast %scan3A_346 : vector<16xf32> to vector<16xf32>
    tpu.vector_store %arg20[%swap3A_348], %swap3A_351 {strides = array<i32>} : memref<16xf32, #tpu.memory_space<vmem>>, vector<16xf32>,
    "tpu.region"() ({
      %run_scoped3A_358 = tpu.sem_alloc : memref<!tpu.dma_semaphore, #tpu.memory_space<semaphore_mem>>
      %dma_start3A_359 = arith.constant 0 : i32
      %dma_start3A_360 = tpu.memref_slice %arg25[%dma_start3A_359] : memref<16xf32, #tpu.memory_space<vmem_shared>> -> memref<16xf32, #tpu.memory_space<vmem_shared>>
      tpu.enqueue_indirect_dma source(%arg20 : memref<16xf32, #tpu.memory_space<vmem>>) target(%dma_start3A_360 : memref<16xf32, #tpu.memory_space<vmem_shared>>) offsets(%arg21 : memref<16xi32, #tpu.memory_space<vmem>>) semaphore(%run_scoped3A_358 : memref<!tpu.dma_semaphore, #tpu.memory_space<semaphore_mem>>) {add = true}
      %dma_wait3A_361 = arith.constant 0 : i32
      %dma_wait3A_362 = tpu.memref_slice %arg25[%dma_wait3A_361] : memref<16xf32, #tpu.memory_space<vmem_shared>> -> memref<16xf32, #tpu.memory_space<vmem_shared>>
      tpu.wait_indirect_dma semaphore(%run_scoped3A_358 : memref<!tpu.dma_semaphore, #tpu.memory_space<semaphore_mem>>) src(%arg20 : memref<16xf32, #tpu.memory_space<vmem>>) dst(%dma_wait3A_362 : memref<16xf32, #tpu.memory_space<vmem_shared>>)
      tpu.yield
    }) : () -> ()
    %barrier3A_352 = arith.constant 0 : index
    tpu.barrier barrier_id(%barrier3A_352)
    %eq3A_353 = arith.constant 0 : i32
    %eq3A_354 = arith.cmpi eq, %arg1, %eq3A_353 : i32
    %convert_element_type3A_355 = arith.extui %eq3A_354 : i1 to i32
    %cond3A_356 = arith.constant 0 : i32
    %cond3A_357 = arith.cmpi ne, %convert_element_type3A_355, %cond3A_356 : i32
    scf.if %cond3A_357 {
      "tpu.region"() ({
        %run_scoped3A_439 = tpu.sem_alloc : memref<!tpu.dma_semaphore, #tpu.memory_space<semaphore_mem>>
        tpu.enqueue_dma source(%arg25 : memref<16xf32, #tpu.memory_space<vmem_shared>>) target(%arg19 : memref<16xf32, #tpu.memory_space<vmem>>) target_semaphore(%run_scoped3A_439 : memref<!tpu.dma_semaphore, #tpu.memory_space<semaphore_mem>>)
        tpu.wait_dma2 semaphore(%run_scoped3A_439 : memref<!tpu.dma_semaphore, #tpu.memory_space<semaphore_mem>>) src(%arg25 : memref<16xf32, #tpu.memory_space<vmem_shared>>) dst(%arg19 : memref<16xf32, #tpu.memory_space<vmem>>)
        tpu.yield
      }) : () -> ()
      %get3A_358 = arith.constant 0 : index
      %get3A_359 = tpu.vector_load %arg19[%get3A_358] {strides = array<i32>} : memref<16xf32, #tpu.memory_space<vmem>>, vector<16xf32>,
      %get3A_360 = vector.shape_cast %get3A_359 : vector<16xf32> to vector<16xf32>
      %swap3A_361 = arith.constant 0 : index
      %swap3A_362 = tpu.vector_load %arg20[%swap3A_361] {strides = array<i32>} : memref<16xf32, #tpu.memory_space<vmem>>, vector<16xf32>,
      %swap3A_363 = vector.shape_cast %swap3A_362 : vector<16xf32> to vector<16xf32>
      %swap3A_364 = vector.shape_cast %get3A_360 : vector<16xf32> to vector<16xf32>
      tpu.vector_store %arg20[%swap3A_361], %swap3A_364 {strides = array<i32>} : memref<16xf32, #tpu.memory_space<vmem>>, vector<16xf32>,
      "tpu.region"() ({
        %run_scoped3A_439 = tpu.sem_alloc : memref<!tpu.dma_semaphore, #tpu.memory_space<semaphore_mem>>
        tpu.enqueue_dma source(%arg20 : memref<16xf32, #tpu.memory_space<vmem>>) target(%arg26 : memref<16xf32, #tpu.memory_space<vmem_shared>>) target_semaphore(%run_scoped3A_439 : memref<!tpu.dma_semaphore, #tpu.memory_space<semaphore_mem>>)
        tpu.wait_dma2 semaphore(%run_scoped3A_439 : memref<!tpu.dma_semaphore, #tpu.memory_space<semaphore_mem>>) src(%arg20 : memref<16xf32, #tpu.memory_space<vmem>>) dst(%arg26 : memref<16xf32, #tpu.memory_space<vmem_shared>>)
        tpu.yield
      }) : () -> ()
      %add3A_365 = arith.constant 8 : i32
      %add3A_366 = vector.broadcast %add3A_365 : i32 to vector<16xi32>
      %add3A_367 = arith.addi %iota3A, %add3A_366 : vector<16xi32>
      %and3A = arith.constant 15 : i32
      %and3A_368 = vector.broadcast %and3A : i32 to vector<16xi32>
      %and3A_369 = arith.andi %add3A_367, %and3A_368 : vector<16xi32>
      %swap3A_370 = arith.constant 0 : index
      %swap3A_371 = tpu.vector_load %arg21[%swap3A_370] {strides = array<i32>} : memref<16xi32, #tpu.memory_space<vmem>>, vector<16xi32>,
      %swap3A_372 = vector.shape_cast %swap3A_371 : vector<16xi32> to vector<16xi32>
      %swap3A_373 = vector.shape_cast %and3A_369 : vector<16xi32> to vector<16xi32>
      tpu.vector_store %arg21[%swap3A_370], %swap3A_373 {strides = array<i32>} : memref<16xi32, #tpu.memory_space<vmem>>, vector<16xi32>,
      "tpu.region"() ({
        %run_scoped3A_439 = tpu.sem_alloc : memref<!tpu.dma_semaphore, #tpu.memory_space<semaphore_mem>>
        %dma_start3A_440 = arith.constant 0 : i32
        %dma_start3A_441 = tpu.memref_slice %arg26[%dma_start3A_440] : memref<16xf32, #tpu.memory_space<vmem_shared>> -> memref<16xf32, #tpu.memory_space<vmem_shared>>
        tpu.enqueue_indirect_dma source(%dma_start3A_441 : memref<16xf32, #tpu.memory_space<vmem_shared>>) target(%arg19 : memref<16xf32, #tpu.memory_space<vmem>>) offsets(%arg21 : memref<16xi32, #tpu.memory_space<vmem>>) semaphore(%run_scoped3A_439 : memref<!tpu.dma_semaphore, #tpu.memory_space<semaphore_mem>>)
        %dma_wait3A_442 = arith.constant 0 : i32
        %dma_wait3A_443 = tpu.memref_slice %arg26[%dma_wait3A_442] : memref<16xf32, #tpu.memory_space<vmem_shared>> -> memref<16xf32, #tpu.memory_space<vmem_shared>>
        tpu.wait_indirect_dma semaphore(%run_scoped3A_439 : memref<!tpu.dma_semaphore, #tpu.memory_space<semaphore_mem>>) src(%dma_wait3A_443 : memref<16xf32, #tpu.memory_space<vmem_shared>>) dst(%arg19 : memref<16xf32, #tpu.memory_space<vmem>>)
        tpu.yield
      }) : () -> ()
      %get3A_374 = arith.constant 0 : index
      %get3A_375 = tpu.vector_load %arg19[%get3A_374] {strides = array<i32>} : memref<16xf32, #tpu.memory_space<vmem>>, vector<16xf32>,
      %get3A_376 = vector.shape_cast %get3A_375 : vector<16xf32> to vector<16xf32>
      %add3A_377 = arith.addf %get3A_360, %get3A_376 : vector<16xf32>
      %swap3A_378 = arith.constant 0 : index
      %swap3A_379 = tpu.vector_load %arg20[%swap3A_378] {strides = array<i32>} : memref<16xf32, #tpu.memory_space<vmem>>, vector<16xf32>,
      %swap3A_380 = vector.shape_cast %swap3A_379 : vector<16xf32> to vector<16xf32>
      %swap3A_381 = vector.shape_cast %add3A_377 : vector<16xf32> to vector<16xf32>
      tpu.vector_store %arg20[%swap3A_378], %swap3A_381 {strides = array<i32>} : memref<16xf32, #tpu.memory_space<vmem>>, vector<16xf32>,
      "tpu.region"() ({
        %run_scoped3A_439 = tpu.sem_alloc : memref<!tpu.dma_semaphore, #tpu.memory_space<semaphore_mem>>
        tpu.enqueue_dma source(%arg20 : memref<16xf32, #tpu.memory_space<vmem>>) target(%arg26 : memref<16xf32, #tpu.memory_space<vmem_shared>>) target_semaphore(%run_scoped3A_439 : memref<!tpu.dma_semaphore, #tpu.memory_space<semaphore_mem>>)
        tpu.wait_dma2 semaphore(%run_scoped3A_439 : memref<!tpu.dma_semaphore, #tpu.memory_space<semaphore_mem>>) src(%arg20 : memref<16xf32, #tpu.memory_space<vmem>>) dst(%arg26 : memref<16xf32, #tpu.memory_space<vmem_shared>>)
        tpu.yield
      }) : () -> ()
      %add3A_382 = arith.constant 4 : i32
      %add3A_383 = vector.broadcast %add3A_382 : i32 to vector<16xi32>
      %add3A_384 = arith.addi %iota3A, %add3A_383 : vector<16xi32>
      %and3A_385 = arith.constant 15 : i32
      %and3A_386 = vector.broadcast %and3A_385 : i32 to vector<16xi32>
      %and3A_387 = arith.andi %add3A_384, %and3A_386 : vector<16xi32>
      %swap3A_388 = arith.constant 0 : index
      %swap3A_389 = tpu.vector_load %arg21[%swap3A_388] {strides = array<i32>} : memref<16xi32, #tpu.memory_space<vmem>>, vector<16xi32>,
      %swap3A_390 = vector.shape_cast %swap3A_389 : vector<16xi32> to vector<16xi32>
      %swap3A_391 = vector.shape_cast %and3A_387 : vector<16xi32> to vector<16xi32>
      tpu.vector_store %arg21[%swap3A_388], %swap3A_391 {strides = array<i32>} : memref<16xi32, #tpu.memory_space<vmem>>, vector<16xi32>,
      "tpu.region"() ({
        %run_scoped3A_439 = tpu.sem_alloc : memref<!tpu.dma_semaphore, #tpu.memory_space<semaphore_mem>>
        %dma_start3A_440 = arith.constant 0 : i32
        %dma_start3A_441 = tpu.memref_slice %arg26[%dma_start3A_440] : memref<16xf32, #tpu.memory_space<vmem_shared>> -> memref<16xf32, #tpu.memory_space<vmem_shared>>
        tpu.enqueue_indirect_dma source(%dma_start3A_441 : memref<16xf32, #tpu.memory_space<vmem_shared>>) target(%arg19 : memref<16xf32, #tpu.memory_space<vmem>>) offsets(%arg21 : memref<16xi32, #tpu.memory_space<vmem>>) semaphore(%run_scoped3A_439 : memref<!tpu.dma_semaphore, #tpu.memory_space<semaphore_mem>>)
        %dma_wait3A_442 = arith.constant 0 : i32
        %dma_wait3A_443 = tpu.memref_slice %arg26[%dma_wait3A_442] : memref<16xf32, #tpu.memory_space<vmem_shared>> -> memref<16xf32, #tpu.memory_space<vmem_shared>>
        tpu.wait_indirect_dma semaphore(%run_scoped3A_439 : memref<!tpu.dma_semaphore, #tpu.memory_space<semaphore_mem>>) src(%dma_wait3A_443 : memref<16xf32, #tpu.memory_space<vmem_shared>>) dst(%arg19 : memref<16xf32, #tpu.memory_space<vmem>>)
        tpu.yield
      }) : () -> ()
      %get3A_392 = arith.constant 0 : index
      %get3A_393 = tpu.vector_load %arg19[%get3A_392] {strides = array<i32>} : memref<16xf32, #tpu.memory_space<vmem>>, vector<16xf32>,
      %get3A_394 = vector.shape_cast %get3A_393 : vector<16xf32> to vector<16xf32>
      %add3A_395 = arith.addf %add3A_377, %get3A_394 : vector<16xf32>
      %swap3A_396 = arith.constant 0 : index
      %swap3A_397 = tpu.vector_load %arg20[%swap3A_396] {strides = array<i32>} : memref<16xf32, #tpu.memory_space<vmem>>, vector<16xf32>,
      %swap3A_398 = vector.shape_cast %swap3A_397 : vector<16xf32> to vector<16xf32>
      %swap3A_399 = vector.shape_cast %add3A_395 : vector<16xf32> to vector<16xf32>
      tpu.vector_store %arg20[%swap3A_396], %swap3A_399 {strides = array<i32>} : memref<16xf32, #tpu.memory_space<vmem>>, vector<16xf32>,
      "tpu.region"() ({
        %run_scoped3A_439 = tpu.sem_alloc : memref<!tpu.dma_semaphore, #tpu.memory_space<semaphore_mem>>
        tpu.enqueue_dma source(%arg20 : memref<16xf32, #tpu.memory_space<vmem>>) target(%arg26 : memref<16xf32, #tpu.memory_space<vmem_shared>>) target_semaphore(%run_scoped3A_439 : memref<!tpu.dma_semaphore, #tpu.memory_space<semaphore_mem>>)
        tpu.wait_dma2 semaphore(%run_scoped3A_439 : memref<!tpu.dma_semaphore, #tpu.memory_space<semaphore_mem>>) src(%arg20 : memref<16xf32, #tpu.memory_space<vmem>>) dst(%arg26 : memref<16xf32, #tpu.memory_space<vmem_shared>>)
        tpu.yield
      }) : () -> ()
      %add3A_400 = arith.constant 2 : i32
      %add3A_401 = vector.broadcast %add3A_400 : i32 to vector<16xi32>
      %add3A_402 = arith.addi %iota3A, %add3A_401 : vector<16xi32>
      %and3A_403 = arith.constant 15 : i32
      %and3A_404 = vector.broadcast %and3A_403 : i32 to vector<16xi32>
      %and3A_405 = arith.andi %add3A_402, %and3A_404 : vector<16xi32>
      %swap3A_406 = arith.constant 0 : index
      %swap3A_407 = tpu.vector_load %arg21[%swap3A_406] {strides = array<i32>} : memref<16xi32, #tpu.memory_space<vmem>>, vector<16xi32>,
      %swap3A_408 = vector.shape_cast %swap3A_407 : vector<16xi32> to vector<16xi32>
      %swap3A_409 = vector.shape_cast %and3A_405 : vector<16xi32> to vector<16xi32>
      tpu.vector_store %arg21[%swap3A_406], %swap3A_409 {strides = array<i32>} : memref<16xi32, #tpu.memory_space<vmem>>, vector<16xi32>,
      "tpu.region"() ({
        %run_scoped3A_439 = tpu.sem_alloc : memref<!tpu.dma_semaphore, #tpu.memory_space<semaphore_mem>>
        %dma_start3A_440 = arith.constant 0 : i32
        %dma_start3A_441 = tpu.memref_slice %arg26[%dma_start3A_440] : memref<16xf32, #tpu.memory_space<vmem_shared>> -> memref<16xf32, #tpu.memory_space<vmem_shared>>
        tpu.enqueue_indirect_dma source(%dma_start3A_441 : memref<16xf32, #tpu.memory_space<vmem_shared>>) target(%arg19 : memref<16xf32, #tpu.memory_space<vmem>>) offsets(%arg21 : memref<16xi32, #tpu.memory_space<vmem>>) semaphore(%run_scoped3A_439 : memref<!tpu.dma_semaphore, #tpu.memory_space<semaphore_mem>>)
        %dma_wait3A_442 = arith.constant 0 : i32
        %dma_wait3A_443 = tpu.memref_slice %arg26[%dma_wait3A_442] : memref<16xf32, #tpu.memory_space<vmem_shared>> -> memref<16xf32, #tpu.memory_space<vmem_shared>>
        tpu.wait_indirect_dma semaphore(%run_scoped3A_439 : memref<!tpu.dma_semaphore, #tpu.memory_space<semaphore_mem>>) src(%dma_wait3A_443 : memref<16xf32, #tpu.memory_space<vmem_shared>>) dst(%arg19 : memref<16xf32, #tpu.memory_space<vmem>>)
        tpu.yield
      }) : () -> ()
      %get3A_410 = arith.constant 0 : index
      %get3A_411 = tpu.vector_load %arg19[%get3A_410] {strides = array<i32>} : memref<16xf32, #tpu.memory_space<vmem>>, vector<16xf32>,
      %get3A_412 = vector.shape_cast %get3A_411 : vector<16xf32> to vector<16xf32>
      %add3A_413 = arith.addf %add3A_395, %get3A_412 : vector<16xf32>
      %swap3A_414 = arith.constant 0 : index
      %swap3A_415 = tpu.vector_load %arg20[%swap3A_414] {strides = array<i32>} : memref<16xf32, #tpu.memory_space<vmem>>, vector<16xf32>,
      %swap3A_416 = vector.shape_cast %swap3A_415 : vector<16xf32> to vector<16xf32>
      %swap3A_417 = vector.shape_cast %add3A_413 : vector<16xf32> to vector<16xf32>
      tpu.vector_store %arg20[%swap3A_414], %swap3A_417 {strides = array<i32>} : memref<16xf32, #tpu.memory_space<vmem>>, vector<16xf32>,
      "tpu.region"() ({
        %run_scoped3A_439 = tpu.sem_alloc : memref<!tpu.dma_semaphore, #tpu.memory_space<semaphore_mem>>
        tpu.enqueue_dma source(%arg20 : memref<16xf32, #tpu.memory_space<vmem>>) target(%arg26 : memref<16xf32, #tpu.memory_space<vmem_shared>>) target_semaphore(%run_scoped3A_439 : memref<!tpu.dma_semaphore, #tpu.memory_space<semaphore_mem>>)
        tpu.wait_dma2 semaphore(%run_scoped3A_439 : memref<!tpu.dma_semaphore, #tpu.memory_space<semaphore_mem>>) src(%arg20 : memref<16xf32, #tpu.memory_space<vmem>>) dst(%arg26 : memref<16xf32, #tpu.memory_space<vmem_shared>>)
        tpu.yield
      }) : () -> ()
      %add3A_418 = arith.constant 1 : i32
      %add3A_419 = vector.broadcast %add3A_418 : i32 to vector<16xi32>
      %add3A_420 = arith.addi %iota3A, %add3A_419 : vector<16xi32>
      %and3A_421 = arith.constant 15 : i32
      %and3A_422 = vector.broadcast %and3A_421 : i32 to vector<16xi32>
      %and3A_423 = arith.andi %add3A_420, %and3A_422 : vector<16xi32>
      %swap3A_424 = arith.constant 0 : index
      %swap3A_425 = tpu.vector_load %arg21[%swap3A_424] {strides = array<i32>} : memref<16xi32, #tpu.memory_space<vmem>>, vector<16xi32>,
      %swap3A_426 = vector.shape_cast %swap3A_425 : vector<16xi32> to vector<16xi32>
      %swap3A_427 = vector.shape_cast %and3A_423 : vector<16xi32> to vector<16xi32>
      tpu.vector_store %arg21[%swap3A_424], %swap3A_427 {strides = array<i32>} : memref<16xi32, #tpu.memory_space<vmem>>, vector<16xi32>,
      "tpu.region"() ({
        %run_scoped3A_439 = tpu.sem_alloc : memref<!tpu.dma_semaphore, #tpu.memory_space<semaphore_mem>>
        %dma_start3A_440 = arith.constant 0 : i32
        %dma_start3A_441 = tpu.memref_slice %arg26[%dma_start3A_440] : memref<16xf32, #tpu.memory_space<vmem_shared>> -> memref<16xf32, #tpu.memory_space<vmem_shared>>
        tpu.enqueue_indirect_dma source(%dma_start3A_441 : memref<16xf32, #tpu.memory_space<vmem_shared>>) target(%arg19 : memref<16xf32, #tpu.memory_space<vmem>>) offsets(%arg21 : memref<16xi32, #tpu.memory_space<vmem>>) semaphore(%run_scoped3A_439 : memref<!tpu.dma_semaphore, #tpu.memory_space<semaphore_mem>>)
        %dma_wait3A_442 = arith.constant 0 : i32
        %dma_wait3A_443 = tpu.memref_slice %arg26[%dma_wait3A_442] : memref<16xf32, #tpu.memory_space<vmem_shared>> -> memref<16xf32, #tpu.memory_space<vmem_shared>>
        tpu.wait_indirect_dma semaphore(%run_scoped3A_439 : memref<!tpu.dma_semaphore, #tpu.memory_space<semaphore_mem>>) src(%dma_wait3A_443 : memref<16xf32, #tpu.memory_space<vmem_shared>>) dst(%arg19 : memref<16xf32, #tpu.memory_space<vmem>>)
        tpu.yield
      }) : () -> ()
      %get3A_428 = arith.constant 0 : index
      %get3A_429 = tpu.vector_load %arg19[%get3A_428] {strides = array<i32>} : memref<16xf32, #tpu.memory_space<vmem>>, vector<16xf32>,
      %get3A_430 = vector.shape_cast %get3A_429 : vector<16xf32> to vector<16xf32>
      %add3A_431 = arith.addf %add3A_413, %get3A_430 : vector<16xf32>
      %mul3A_432 = arith.constant 1.22070313E-4 : f32
      %mul3A_433 = vector.broadcast %mul3A_432 : f32 to vector<16xf32>
      %mul3A_434 = arith.mulf %add3A_431, %mul3A_433 : vector<16xf32>
      %swap3A_435 = arith.constant 0 : index
      %swap3A_436 = tpu.vector_load %arg20[%swap3A_435] {strides = array<i32>} : memref<16xf32, #tpu.memory_space<vmem>>, vector<16xf32>,
      %swap3A_437 = vector.shape_cast %swap3A_436 : vector<16xf32> to vector<16xf32>
      %swap3A_438 = vector.shape_cast %mul3A_434 : vector<16xf32> to vector<16xf32>
      tpu.vector_store %arg20[%swap3A_435], %swap3A_438 {strides = array<i32>} : memref<16xf32, #tpu.memory_space<vmem>>, vector<16xf32>,
      "tpu.region"() ({
        %run_scoped3A_439 = tpu.sem_alloc : memref<!tpu.dma_semaphore, #tpu.memory_space<semaphore_mem>>
        %dma_start3A_440 = arith.constant 0 : i32
        %dma_start3A_441 = tpu.memref_slice %arg20[%dma_start3A_440] : memref<16xf32, #tpu.memory_space<vmem>> -> memref<1xf32, #tpu.memory_space<vmem>>
        %dma_start3A_442 = arith.constant 0 : i32
        %dma_start3A_443 = tpu.memref_slice %arg20[%dma_start3A_442] : memref<16xf32, #tpu.memory_space<vmem>> -> memref<1xf32, #tpu.memory_space<vmem>>
        tpu.enqueue_dma source(%dma_start3A_443 : memref<1xf32, #tpu.memory_space<vmem>>) target(%arg7 : memref<1xf32, #tpu.memory_space<hbm>>) target_semaphore(%run_scoped3A_439 : memref<!tpu.dma_semaphore, #tpu.memory_space<semaphore_mem>>)
        %dma_wait3A_444 = arith.constant 0 : i32
        %dma_wait3A_445 = tpu.memref_slice %arg20[%dma_wait3A_444] : memref<16xf32, #tpu.memory_space<vmem>> -> memref<1xf32, #tpu.memory_space<vmem>>
        %dma_wait3A_446 = arith.constant 0 : i32
        %dma_wait3A_447 = tpu.memref_slice %arg20[%dma_wait3A_446] : memref<16xf32, #tpu.memory_space<vmem>> -> memref<1xf32, #tpu.memory_space<vmem>>
        tpu.wait_dma2 semaphore(%run_scoped3A_439 : memref<!tpu.dma_semaphore, #tpu.memory_space<semaphore_mem>>) src(%dma_wait3A_447 : memref<1xf32, #tpu.memory_space<vmem>>) dst(%arg7 : memref<1xf32, #tpu.memory_space<hbm>>)
        tpu.yield
      }) : () -> ()
    } else {
    }
    return
  }
}

</mosaic_0001>

<sc_bundles>
// kernel: _cls_loss_sc.3.cloned.1.call-start
scs
__scs_entry_jumppad:
0x0: {  	(pc) =	sbr.rel $0x88, $3  }
0x1: {  	(tag) =	ssettag $0x0;
	lr =	simm.s32 $0x1  }
0x2: {  	[smem:$0x3F9C] =	sst lr;
	_ =	strace $0xD0000000  }
0x3: {  	_ = 	snop  }
0x4: {  	_ = 	snop  }
0x5: {  	_ = 	snop  }
0x6: {  	_ = 	snop  }
0x7: {  	_ = 	snop  }
__scs_overlays_trampoline_lowered:
0x8: {  	[smem:$0x3FAB] =	sst s0  }
0x9: {  	[smem:$0x3FAC] =	sst s1  }
0xa: {  	[smem:$0x3FAD] =	sst s2  }
0xb: {  	[smem:$0x3FAE] =	sst s3  }
0xc: {  	[smem:$0x3FAF] =	sst s4  }
0xd: {  	[smem:$0x3FB0] =	sst s5  }
0xe: {  	[smem:$0x3FB1] =	sst s6  }
0xf: {  	[smem:$0x3FB2] =	sst s7  }
0x10: {  	[smem:$0x3FB3] =	sst s8  }
0x11: {  	[smem:$0x3FB4] =	sst s9;
	s0 =	simm.s32 @!p0 $0x0  }
0x12: {  	s1 =	sld [smem:$0x3F9A];
	s0 =	simm.s32 @p0 $0x1  }
0x13: {  	[smem:$0x3FB5] =	sst s0;
	s0 =	simm.s32 @!p1 $0x0  }
0x14: {  	s2 =	sld [smem:$0x3F99];
	s0 =	simm.s32 @p1 $0x1  }
0x15: {  	[smem:$0x3FB6] =	sst s0;
	s0 =	simm.s32 @!p2 $0x0  }
0x16: {  	s3 =	sld [smem:$0x3FDB];
	s0 =	simm.s32 @p2 $0x1  }
0x17: {  	s4 =	simm.s32 $0x1BF5;
	[smem:$0x3FB8] =	sst s0  }
0x18: {  	s0 =	sld [smem:$0x3F9B];
	_ =	swait.ge [sflag:s4], $0x0  }
0x19: {  	s7 =	sld [smem:$0x3F9C]  }
0x1a: {  	s8 =	sadd.s32 $0xFFFFE003, lr  }
0x1b: {  	s9 =	sadd.s32 $0xFFFFFEF7, lr;
	s5 =	simm.s32 $0xFFFFFFFF;
	p2 =	slt.u32 s8, $0xFFFFF086  }
0x1c: {  	p1 =	slt.u32 s9, $0xF7A;
	s5 =	simm.s32 @!p2 $0x0  }
0x1d: {  	s5 =	simm.s32 @p1 $0x1;
	p0 =	seq.s32 s7, s2  }
0x1e: {  	s7 =	smul.u32 @!p0 $0xF7A, s2;
	p2 =	seq.s32 @!p0 s5, $0x0  }
0x1f: {  	s9 =	smul.u32 $0xF7A, s1;
	s8 =	simm.s32 @!p0 $0x1BF5;
	p2 =	por !p2, p0  }
0x20: {  	[sflag:s8] =	ssyncset.s32 @!p0 $0xFFFFF086;
	s6 =	sadd.s32 @!p0 s3, s7;
	s7 =	simm.s32 @!p0 $0x108  }
0x21: {  	s3 =	sadd.s32 s3, s9;
	s6 =	sadd.s32 @!p0 $0x88, s6;
	s7 =	simm.s32 @p2 $0x1082  }
0x22: {  	[simem:s7], [sflag:s8] =	dma.local @!p0 [hbm:s6], $0xF7A  }
0x23: {  	s9 =	sor.u32 $0xD0000000, s2;
	s6 =	simm.s32 $0x108;
	_ =	swait.ge @!p0 [sflag:s8], $0x0  }
0x24: {  	s3 =	sadd.s32 $0x88, s3;
	s6 =	simm.s32 @!p1 $0x1082;
	[sflag:s4] =	ssyncset.s32 $0xFFFFF086  }
0x25: {  	[simem:s6], [sflag:s4] =	dma.local [hbm:s3], $0xF7A  }
0x26: {  	[smem:$0x3F9C] =	sst s1;
	(tag) =	ssettag s2;
	_ =	strace s9  }
0x27: {  	s1 =	sld [smem:$0x3FAC]  }
0x28: {  	s2 =	sld [smem:$0x3FAD]  }
0x29: {  	s4 =	sld [smem:$0x3FAF]  }
0x2a: {  	p0 =	seq.s32 s5, $0x0;
	s5 =	sld [smem:$0x3FB0]  }
0x2b: {  	s6 =	sld [smem:$0x3FB1]  }
0x2c: {  	s7 =	sld [smem:$0x3FB2]  }
0x2d: {  	s3 =	simm.s32 $0x108;
	s8 =	sld [smem:$0x3FB3]  }
0x2e: {  	s3 =	simm.s32 @!p0 $0x1082;
	s9 =	sld [smem:$0x3FB4]  }
0x2f: {  	lr =	sadd.s32 s0, s3;
	s0 =	sld [smem:$0x3FAB]  }
0x30: {  	s3 =	sld [smem:$0x3FAE]  }
0x31: {  	[smem:$0x3FB7] =	sst s10  }
0x32: {  	s10 =	sld [smem:$0x3FB5];
	_ =	sdelay $0x3  }
0x33: {  	p0 =	seq.s32 s10, $0x1;
	s10 =	sld [smem:$0x3FB7];
	_ =	sdelay $0x3  }
0x34: {  	[smem:$0x3FB7] =	sst s10  }
0x35: {  	s10 =	sld [smem:$0x3FB6];
	_ =	sdelay $0x3  }
0x36: {  	p1 =	seq.s32 s10, $0x1;
	s10 =	sld [smem:$0x3FB7];
	_ =	sdelay $0x3  }
0x37: {  	[smem:$0x3FB7] =	sst s10  }
0x38: {  	s10 =	sld [smem:$0x3FB8]  }
0x39: {  	_ = 	snop;
	(pc) =	sbr.ind lr, $3  }
0x3a: {  	_ = 	snop  }
0x3b: {  	_ = 	snop  }
0x3c: {  	p2 =	seq.s32 s10, $0x1;
	s10 =	sld [smem:$0x3FB7]  }
0x3d: {  	_ =	shalt  }
0x3e: {  	_ =	shalt  }
0x3f: {  	_ =	shalt  }
0x40: {  	_ =	shalt  }
0x41: {  	_ =	shalt  }
0x42: {  	_ =	shalt  }
0x43: {  	_ =	shalt  }
0x44: {  	_ =	shalt  }
0x45: {  	_ =	shalt  }
0x46: {  	_ =	shalt  }
0x47: {  	_ =	shalt  }
0x48: {  	_ =	shalt  }
0x49: {  	_ =	shalt  }
0x4a: {  	_ =	shalt  }
0x4b: {  	_ =	shalt  }
0x4c: {  	_ =	shalt  }
0x4d: {  	_ =	shalt  }
0x4e: {  	_ =	shalt  }
0x4f: {  	_ =	shalt  }
0x50: {  	_ =	shalt  }
0x51: {  	_ =	shalt  }
0x52: {  	_ =	shalt  }
0x53: {  	_ =	shalt  }
0x54: {  	_ =	shalt  }
0x55: {  	_ =	shalt  }
0x56: {  	_ =	shalt  }
0x57: {  	_ =	shalt  }
0x58: {  	_ =	shalt  }
0x59: {  	_ =	shalt  }
0x5a: {  	_ =	shalt  }
0x5b: {  	_ =	shalt  }
0x5c: {  	_ =	shalt  }
0x5d: {  	_ =	shalt  }
0x5e: {  	_ =	shalt  }
0x5f: {  	_ =	shalt  }
0x60: {  	_ =	shalt  }
0x61: {  	_ =	shalt  }
0x62: {  	_ =	shalt  }
0x63: {  	_ =	shalt  }
0x64: {  	_ =	shalt  }
0x65: {  	_ =	shalt  }
0x66: {  	_ =	shalt  }
0x67: {  	_ =	shalt  }
0x68: {  	_ =	shalt  }
0x69: {  	_ =	shalt  }
0x6a: {  	_ =	shalt  }
0x6b: {  	_ =	shalt  }
0x6c: {  	_ =	shalt  }
0x6d: {  	_ =	shalt  }
0x6e: {  	_ =	shalt  }
0x6f: {  	_ =	shalt  }
0x70: {  	_ =	shalt  }
0x71: {  	_ =	shalt  }
0x72: {  	_ =	shalt  }
0x73: {  	_ =	shalt  }
0x74: {  	_ =	shalt  }
0x75: {  	_ =	shalt  }
0x76: {  	_ =	shalt  }
0x77: {  	_ =	shalt  }
0x78: {  	_ =	shalt  }
0x79: {  	_ =	shalt  }
0x7a: {  	_ =	shalt  }
0x7b: {  	_ =	shalt  }
0x7c: {  	_ =	shalt  }
0x7d: {  	_ =	shalt  }
0x7e: {  	_ =	shalt  }
0x7f: {  	_ =	shalt  }
0x80: {  	_ =	shalt  }
0x81: {  	_ =	shalt  }
0x82: {  	_ =	shalt  }
0x83: {  	_ =	shalt  }
0x84: {  	_ =	shalt  }
0x85: {  	_ =	shalt  }
0x86: {  	_ =	shalt  }
0x87: {  	_ =	shalt  }
.Lfunc_end0:
.L_simem_size_0:
called_computation_lowered:
.L_overlay_start_0:
0x88: {  	s0 =	sld [smem:$0x3FD9]  }
0x89: {  	s1 =	sld [smem:$0x3FFE];
	_ =	sdelay $0x3  }
0x8a: {  	s0 =	sadd.s32 s1, s0  }
0x8b: {  	[smem:$0x3FC3] =	sst s0  }
0x8c: {  	_ = 	snop  }
0x8d: {  	s0 =	sld [smem:$0x3FC9]  }
0x8e: {  	s17 =	sld [smem:$0x3FC8]  }
0x8f: {  	s2 =	sld [smem:$0x3FC7]  }
0x90: {  	s3 =	sld [smem:$0x3FC6]  }
0x91: {  	s4 =	sld [smem:$0x3FC5]  }
0x92: {  	s5 =	sld [smem:$0x3FD0];
	(tm) =	ssettm $0x1  }
0x93: {  	s6 =	sld [smem:$0x3FFB];
	_ =	sdelay $0x3  }
0x94: {  	_ =	strace s6  }
0x95: {  	s6 =	sld [smem:$0x3FFC];
	_ =	sdelay $0x3  }
0x96: {  	_ =	strace s6  }
0x97: {  	s6 =	sld [smem:$0x3FFD];
	_ =	sdelay $0x3  }
0x98: {  	_ =	strace s6  }
0x99: {  	_ =	strace $0x8FFFFFFF  }
0x9a: {  	s18 =	sld [smem:$0x3FDB];
	_ =	sdelay $0x1  }
0x9b: {  	s7 =	simm.s32 $_scs_section_size  }
0x9c: {  	s8 =	simm.s32 $_size__tile_overlayer_lowered;
	s9 =	simm.s32 $_tile_overlayer_lowered  }
0x9d: {  	s21 =	simm.s32 $0x1BFF;
	s20 =	sshll.u32 s9, $0x1;
	s6 =	sadd.s32 s7, s18  }
0x9e: {  	s10 =	simm.s32 $0x0;
	s19 =	sshll.u32 s8, $0x1;
	s8 =	sadd.s32 s20, s6  }
0x9f: {  	[timem:s10], [sflag:s21] =	dma.local [hbm:s8], s19  }
0xa0: {  	_ =	swait.ge [sflag:s21], s19  }
0xa1: {  	s7 =	ssub.s32 $0x0, s19;
	[sflag:s21] =	ssyncset.done $0x0  }
0xa2: {  	[sflag:s21] =	ssyncadd.s32 s7;
	_ =	sdelay $0x1  }
0xa3: {  	s22 =	simm.s32 $0x1B8B  }
0xa4: {  	_ =	swait.ge [sflag:s22], $0x1  }
0xa5: {  	[sflag:s22] =	ssyncset.done $0x0  }
0xa6: {  	s23 =	simm.s32 $0x1B8E;
	[sflag:s22] =	ssyncadd.s32 $0xFFFFFFFF  }
0xa7: {  	s24 =	simm.s32 $execute0_lowered;
	[smem:$0x3FD2] =	sst s23  }
0xa8: {  	s7 =	sshll.u32 s24, $0x1;
	_ =	strace $0x80000046;
	[dreg:$0x1] =	wrdreg $0xFFFFFFFF  }
0xa9: {  	s25 =	simm.s32 $_size_execute0_lowered;
	s6 =	sadd.s32 s6, s7;
	[dreg:$0x0] =	wrdreg $0x0  }
0xaa: {  	s7 =	sshll.u32 s25, $0x1;
	[dreg:$0x2] =	wrdreg s6  }
0xab: {  	[dreg:$0x3] =	wrdreg s7  }
0xac: {  	[dreg:$0x4] =	wrdreg $0xC0  }
0xad: {  	_ =	task [dreg:s10], $0x5FFFF  }
0xae: {  	[dreg:$0x1] =	wrdreg $0xFFFFFFFF  }
0xaf: {  	[dreg:$0x0] =	wrdreg $0x60  }
0xb0: {  	[dreg:$0x2] =	wrdreg s0  }
0xb1: {  	[dreg:$0x3] =	wrdreg s17  }
0xb2: {  	[dreg:$0x4] =	wrdreg s2  }
0xb3: {  	[dreg:$0x5] =	wrdreg s3  }
0xb4: {  	[dreg:$0x6] =	wrdreg s4  }
0xb5: {  	[dreg:$0x7] =	wrdreg s5  }
0xb6: {  	[dreg:$0x8] =	wrdreg $0x2C000  }
0xb7: {  	[dreg:$0x9] =	wrdreg $0x24000  }
0xb8: {  	[dreg:$0xa] =	wrdreg $0x28000  }
0xb9: {  	[dreg:$0xb] =	wrdreg $0x2C080  }
0xba: {  	[dreg:$0xc] =	wrdreg $0x9  }
0xbb: {  	_ =	task.clear_ibuf [dreg:s10], $0xDFFFF;
	_ =	strace $0x90000046  }
0xbc: {  	s26 =	simm.s32 $0x9;
	_ =	strace $0x80000048  }
0xbd: {  	_ =	swait.ge [sflag:s26], $0x1  }
0xbe: {  	[sflag:s26] =	ssyncadd.s32 $0xFFFFFFFF  }
0xbf: {  	_ =	strace $0x90000048  }
0xc0: {  	_ =	sfence  }
0xc1: {  	s28 =	sld [smem:$0x0];
	_ =	sdelay $0x1  }
0xc2: {  	s29 =	srdreg.scid  }
0xc3: {  	s30 =	sshll.u32 s29, $0xD;
	s31 =	sshrl.u32 s29, $0x2  }
0xc4: {  	s1 =	sand.u32 $0x1, s29;
	s2 =	sand.u32 $0x4000, s30;
	s0 =	sadd.s32 s31, s28  }
0xc5: {  	s1 =	sor.u32 s2, s1;
	s0 =	sshll.u32 s0, $0x11  }
0xc6: {  	s0 =	sor.u32 s0, s1  }
0xc7: {  	s0 =	sadd.s32 $0x8F2B, s0  }
0xc8: {  	[sflag:s0] =	ssyncadd.remote.s32 $0x1  }
0xc9: {  	_ =	sfence.sel $0xFFFF  }
0xca: {  	[dreg:$0x0] =	wrdreg $0xFFFFFFFF;
	(pc) =	sbr.abs _section_cstart, $3  }
0xcb: {  	[dreg:$0x1] =	wrdreg $0xFFFFFFFF  }
0xcc: {  	_ =	task.clear_ibuf [dreg:s10], $0x2FFFF;
	_ =	strace $0x9FFFFFFF  }
0xcd: {  	(tm) =	ssettm $0x7FFFFFFF  }
tec
execute0_lowered:
.L_overlay_start_1:
0x0: {  	(tag) =	ssettag $0x1  }
0x1: {  	s6 =	rddreg [dreg:$0x0]  }
0x2: {  	s7 =	rddreg [dreg:$0x1]  }
0x3: {  	s8 =	rddreg [dreg:$0x2]  }
0x4: {  	s9 =	rddreg [dreg:$0x3]  }
0x5: {  	s10 =	rddreg [dreg:$0x4]  }
0x6: {  	s1 =	rddreg [dreg:$0x5]  }
0x7: {  	s3 =	rddreg [dreg:$0x6]  }
0x8: {  	s4 =	rddreg [dreg:$0x7]  }
0x9: {  	s5 =	rddreg [dreg:$0x8]  }
0xa: {  	s2 =	rddreg [dreg:$0x9];
	s11 =	simm.s32 $0x0;
	s12 =	stileid.u32  }
0xb: {  	v0 =	vimm.s32 $0x0;
	[smem:$0x7FF] =	sst s11;
	s13 =	sshll.u32 s12, $0x8  }
0xc: {  	s0 =	rddreg [dreg:$0xa];
	_ =	strace $0x80000047;
	s6 =	sadd.s32 s6, s13;
	[tilespmem:$0x2300] =	vst v0  }
0xd: {  	[tilespmem:s11], [sflag:$0x1] =	stream.linear.gather [hbm4b:s6+s11], $0x800, $0x38;
	[tilespmem:$0x2C10] =	vst v63  }
0xe: {  	s14 =	simm.s32 $0x800;
	s19 =	sshll.u32 s12, $0x4;
	s6 =	sadd.s32 $0x1000, s6  }
0xf: {  	[tilespmem:s14], [sflag:$0x1] =	stream.linear.gather [hbm4b:s6+s11], $0x800, $0x38;
	[tilespmem:$0x2C10] =	vst v63  }
0x10: {  	s22 =	simm.s32 $0x1800;
	s21 =	sshll.u32 s12, $0x6;
	s20 =	sadd.s32 s7, s19  }
0x11: {  	[tilespmem:s22], [sflag:$0x1] =	stream.linear.gather [hbm4b:s20+s11], $0x80, $0x38;
	[tilespmem:$0x2C10] =	vst v63  }
0x12: {  	s24 =	simm.s32 $0x1880;
	s23 =	sadd.s32 s8, s21  }
0x13: {  	[tilespmem:s24], [sflag:$0x1] =	stream.linear.gather [hbm4b:s23+s11], $0x200, $0x38;
	[tilespmem:$0x2C10] =	vst v63  }
0x14: {  	s26 =	simm.s32 $0x1A80;
	s25 =	sadd.s32 s9, s21  }
0x15: {  	[tilespmem:s26], [sflag:$0x1] =	stream.linear.gather [hbm4b:s25+s11], $0x200, $0x38;
	[tilespmem:$0x2C10] =	vst v63  }
0x16: {  	s28 =	simm.s32 $0x10;
	s29 =	simm.s32 $0x2300;
	s30 =	simm.s32 $0x2380  }
0x17: {  	v0 =	vlaneseq.u32;
	[tilespmem:s30], [sflag:$0x1] =	stream.indirect.gather [hbm4b:s10+s28], $0x1, s29, s28, $0xb8;
	[tilespmem:$0x2C10] =	vst v63  }
0x18: {  	p0 =	sne.s32 s12, $0x0;
	[tilespmem:$0x2300] =	vst v0;
	v0 =	vimm.f32 $0.0e+00  }
0x19: {  	s6 =	simm.s32 @!p0 $0x2280;
	[tilespmem:$0x2280] =	vst v0  }
0x1a: {  	[spmem:s3] =	stream.linear.scatter @!p0 [tilespmem:s6], [sflag:$0x2], $0x80, $0x38;
	[tilespmem:$0x2C10] =	vst v63  }
0x1b: {  	s6 =	simm.s32 @!p0 $0x2  }
0x1c: {  	_ =	swait.ge @!p0 [sflag:s6], $0x80  }
0x1d: {  	[sflag:s6] =	ssyncset.done @!p0 $0x0  }
0x1e: {  	s31 =	simm.s32 $0x1;
	[sflag:s6] =	ssyncadd.s32 @!p0 $0xFFFFFF80  }
0x1f: {  	_ =	swait.ge [sflag:s31], $0x800  }
0x20: {  	[sflag:s31] =	ssyncset.done $0x0  }
0x21: {  	[sflag:s31] =	ssyncadd.s32 $0xFFFFF800  }
0x22: {  	_ =	swait.ge [sflag:s31], $0x800  }
0x23: {  	[sflag:s31] =	ssyncset.done $0x0  }
0x24: {  	[sflag:s31] =	ssyncadd.s32 $0xFFFFF800  }
0x25: {  	_ =	swait.ge [sflag:s31], $0x80  }
0x26: {  	[sflag:s31] =	ssyncset.done $0x0  }
0x27: {  	[sflag:s31] =	ssyncadd.s32 $0xFFFFFF80  }
0x28: {  	_ =	swait.ge [sflag:s31], $0x200  }
0x29: {  	[sflag:s31] =	ssyncset.done $0x0  }
0x2a: {  	[sflag:s31] =	ssyncadd.s32 $0xFFFFFE00  }
0x2b: {  	_ =	swait.ge [sflag:s31], $0x200  }
0x2c: {  	[sflag:s31] =	ssyncset.done $0x0  }
0x2d: {  	[sflag:s31] =	ssyncadd.s32 $0xFFFFFE00  }
0x2e: {  	_ =	swait.ge [sflag:s31], $0x10  }
0x2f: {  	[sflag:s31] =	ssyncset.done $0x0  }
0x30: {  	s14 =	simm.s32 $0x0;
	[sflag:s31] =	ssyncadd.s32 $0xFFFFFFF0  }
0x31: {  	v0 =	vld [tilespmem:s14+$0x0]  }
0x32: {  	v1 =	vld [tilespmem:s14+$0x400];
	_ =	sdelay $0x4  }
0x33: {  	s11 =	simm.s32 $0x10;
	v0 =	vsub.f32 v1, v0  }
0x34: {  	v2 =	vld [tilespmem:s11+$0x400]  }
0x35: {  	v1 =	vld [tilespmem:s11+$0x0];
	v0 =	vmul.f32 $1.442695020e+00, v0;
	_ =	sdelay $0x1  }
0x36: {  	(erf) = vpow2.f32 v0;
	_ =	sdelay $0x2  }
0x37: {  	s10 =	simm.s32 $0x20;
	v0 =	vsub.f32 v2, v1  }
0x38: {  	v1 =	vld [tilespmem:s10+$0x0]  }
0x39: {  	v2 =	vld [tilespmem:s10+$0x400];
	v0 =	vmul.f32 $1.442695020e+00, v0;
	_ =	sdelay $0x1  }
0x3a: {  	(erf) = vpow2.f32 v0;
	_ =	sdelay $0x1  }
0x3b: {  	v0 =	vpop (erf)  }
0x3c: {  	v1 =	vsub.f32 v2, v1;
	v3 =	vadd.f32 $1.000000000e+00, v0;
	_ =	sdelay $0x1  }
0x3d: {  	s8 =	simm.s32 $0x30;
	v1 =	vmul.f32 $1.442695020e+00, v1;
	(erf) = vrcp.f32 v3  }
0x3e: {  	v2 =	vld [tilespmem:s8+$0x0]  }
0x3f: {  	v3 =	vld [tilespmem:s8+$0x400];
	(erf) = vpow2.f32 v1;
	_ =	sdelay $0x1  }
0x40: {  	v4 =	vpop (erf)  }
0x41: {  	v1 =	vadd.f32 $1.000000000e+00, v4;
	_ =	sdelay $0x1  }
0x42: {  	v2 =	vsub.f32 v3, v2;
	(erf) = vrcp.f32 v1  }
0x43: {  	s6 =	simm.s32 $0x40  }
0x44: {  	v1 =	vld [tilespmem:s6+$0x0];
	v2 =	vmul.f32 $1.442695020e+00, v2;
	v6 =	vpop (erf)  }
0x45: {  	v5 =	vmul.f32 v6, v0;
	v0 =	vld [tilespmem:s6+$0x400]  }
0x46: {  	(erf) = vpow2.f32 v2;
	v7 =	vpop (erf)  }
0x47: {  	v8 =	vmul.f32 $2.500000000e-01, v6;
	v3 =	vadd.f32 $1.000000000e+00, v7;
	v2 =	vmul.f32 $2.500000000e-01, v5;
	_ =	sdelay $0x1  }
0x48: {  	s7 =	simm.s32 $0x50;
	(erf) = vrcp.f32 v3;
	v3 =	vadd.f32 $3.333333430e-01, v8;
	v2 =	vadd.f32 $3.333333430e-01, v2  }
0x49: {  	v9 =	vld [tilespmem:s7+$0x400];
	v0 =	vsub.f32 v0, v1  }
0x4a: {  	v8 =	vld [tilespmem:s7+$0x0];
	v1 =	vpop (erf);
	v3 =	vmul.f32 v3, v6;
	v2 =	vmul.f32 v2, v5  }
0x4b: {  	v4 =	vmul.f32 v1, v4;
	v0 =	vmul.f32 $1.442695020e+00, v0  }
0x4c: {  	v2 =	vadd.f32 $5.000000000e-01, v2  }
0x4d: {  	(erf) = vpow2.f32 v0;
	v0 =	vmul.f32 $2.500000000e-01, v4  }
0x4e: {  	v11 =	vadd.f32 $5.000000000e-01, v3;
	v2 =	vmul.f32 v2, v5  }
0x4f: {  	v10 =	vmul.f32 $2.500000000e-01, v1;
	v8 =	vsub.f32 v9, v8;
	v3 =	vpop (erf);
	v0 =	vadd.f32 $3.333333430e-01, v0  }
0x50: {  	v12 =	vadd.f32 $1.000000000e+00, v3;
	v2 =	vadd.f32 $1.000000000e+00, v2  }
0x51: {  	v13 =	vld [tilespmem:s14+$0x800];
	v10 =	vadd.f32 $3.333333430e-01, v10;
	v11 =	vmul.f32 v11, v6;
	v8 =	vmul.f32 $1.442695020e+00, v8  }
0x52: {  	(erf) = vrcp.f32 v12;
	v5 =	vmul.f32 v2, v5  }
0x53: {  	s9 =	simm.s32 $0x60;
	v14 =	vld [tilespmem:s14+$0xC00];
	v10 =	vmul.f32 v10, v1;
	v11 =	vadd.f32 $1.000000000e+00, v11;
	v9 =	vmul.f32 v0, v4;
	v0 =	vpop (erf)  }
0x54: {  	v15 =	vld [tilespmem:s9+$0x0];
	(erf) = vpow2.f32 v8;
	v2 =	vmul.f32 v0, v7  }
0x55: {  	v16 =	vld [tilespmem:s9+$0x400];
	v6 =	vmul.f32 v11, v6;
	v9 =	vadd.f32 $5.000000000e-01, v9;
	v12 =	vmul.f32 $2.500000000e-01, v0  }
0x56: {  	v10 =	vadd.f32 $5.000000000e-01, v10;
	v7 =	vmul.f32 v5, v13;
	v8 =	vmul.f32 $2.500000000e-01, v2;
	v5 =	vpop (erf)  }
0x57: {  	v13 =	vmul.f32 v9, v4;
	v12 =	vadd.f32 $3.333333430e-01, v12;
	v17 =	vadd.f32 $1.000000000e+00, v5  }
0x58: {  	v10 =	vmul.f32 v10, v1;
	v11 =	vmul.f32 v6, v14;
	v9 =	vld [tilespmem:s11+$0x800];
	v18 =	vadd.f32 $3.333333430e-01, v8  }
0x59: {  	s12 =	sshll.u32 s12, $0xA;
	[tilespmem:s14+$0x1400] =	vst v6;
	v8 =	vmul.f32 v12, v0;
	v12 =	vadd.f32 $1.000000000e+00, v13;
	(erf) = vrcp.f32 v17  }
0x5a: {  	s15 =	simm.s32 $0x1C0;
	s13 =	sadd.s32 s12, s4;
	s12 =	sadd.s32 s12, s5;
	v14 =	vsub.f32 v16, v15;
	v6 =	vld [tilespmem:s11+$0xC00];
	v13 =	vmul.f32 v18, v2  }
.LBB2_1:
0x5b: {  	s16 =	sshra.s32 s15, $0x2;
	p1 =	sne.s32 s15, $0xFC0;
	s15 =	sadd.s32 $0x40, s15;
	v15 =	vpop (erf);
	v10 =	vadd.f32 $1.000000000e+00, v10;
	v12 =	vmul.f32 v12, v4;
	v11 =	vadd.f32 v7, v11  }
0x5c: {  	v4 =	vmovc v2;
	v16 =	vld [tilespmem:s16+$0x0];
	v14 =	vmul.f32 $1.442695020e+00, v14;
	v13 =	vadd.f32 $5.000000000e-01, v13;
	v2 =	vmul.f32 v15, v3;
	v3 =	vmovc v5  }
0x5d: {  	v18 =	vmul.f32 $2.500000000e-01, v15;
	v17 =	vld [tilespmem:s16+$0x400];
	v7 =	vmul.f32 v12, v9;
	[tilespmem:s14+$0x1000] =	vst v11;
	s14 =	smov.u32 s11;
	s11 =	smov.u32 s10;
	s10 =	smov.u32 s8  }
.Ltmp0:
0x5e: {  	v8 =	vadd.f32 $5.000000000e-01, v8;
	s8 =	smov.u32 s6;
	s6 =	smov.u32 s7;
	(erf) = vpow2.f32 v14;
	v9 =	vmul.f32 $2.500000000e-01, v2;
	(pc) =	sbr.rel @p1 .LBB2_1-.Ltmp0, $4  }
0x5f: {  	s7 =	smov.u32 s9;
	s9 =	smov.u32 s16;
	v11 =	vadd.f32 $3.333333430e-01, v18;
	v12 =	vmul.f32 v13, v4;
	v13 =	vmul.f32 v10, v1;
	v5 =	vpop (erf)  }
0x60: {  	v10 =	vmul.f32 v8, v0;
	v1 =	vmovc v0;
	v0 =	vmovc v15;
	v18 =	vadd.f32 $1.000000000e+00, v5;
	v19 =	vadd.f32 $3.333333430e-01, v9;
	v9 =	vld [tilespmem:s11+$0x800]  }
0x61: {  	v8 =	vmul.f32 v11, v0;
	v12 =	vadd.f32 $1.000000000e+00, v12;
	v11 =	vmul.f32 v13, v6;
	[tilespmem:s14+$0x1400] =	vst v13  }
0x62: {  	v14 =	vsub.f32 v17, v16;
	(erf) = vrcp.f32 v18;
	v13 =	vmul.f32 v19, v2;
	v6 =	vld [tilespmem:s11+$0xC00]  }
0x63: {  	_ = 	snop  }
0x64: {  	v14 =	vmul.f32 $1.442695020e+00, v14;
	_ =	sdelay $0x1  }
0x65: {  	v10 =	vadd.f32 $1.000000000e+00, v10;
	(erf) = vpow2.f32 v14  }
0x66: {  	v52 =	vpop (erf);
	v4 =	vmul.f32 v12, v4;
	v7 =	vadd.f32 v7, v11;
	v8 =	vadd.f32 $5.000000000e-01, v8  }
0x67: {  	v3 =	vmul.f32 v52, v3;
	v53 =	vadd.f32 $5.000000000e-01, v13;
	v54 =	vmul.f32 $2.500000000e-01, v52  }
0x68: {  	v4 =	vmul.f32 v4, v9;
	v1 =	vmul.f32 v10, v1  }
0x69: {  	[tilespmem:s14+$0x1000] =	vst v7;
	v8 =	vmul.f32 v8, v0;
	v11 =	vmul.f32 v53, v2;
	v55 =	vpop (erf)  }
0x6a: {  	v56 =	vmul.f32 $2.500000000e-01, v3;
	v57 =	vadd.f32 $3.333333430e-01, v54;
	v59 =	vld [tilespmem:s10+$0x800];
	v15 =	vadd.f32 $1.000000000e+00, v55  }
0x6b: {  	v6 =	vmul.f32 v1, v6;
	[tilespmem:s11+$0x1400] =	vst v1;
	v8 =	vadd.f32 $1.000000000e+00, v8;
	v11 =	vadd.f32 $1.000000000e+00, v11  }
0x6c: {  	v58 =	vadd.f32 $3.333333430e-01, v56;
	v7 =	vmul.f32 v57, v52;
	v60 =	vld [tilespmem:s10+$0xC00];
	(erf) = vrcp.f32 v15  }
0x6d: {  	v4 =	vadd.f32 v4, v6;
	v0 =	vmul.f32 v8, v0;
	v2 =	vmul.f32 v11, v2;
	v1 =	vpop (erf)  }
0x6e: {  	v10 =	vmul.f32 v58, v3;
	v7 =	vadd.f32 $5.000000000e-01, v7;
	v5 =	vmul.f32 v1, v5;
	v61 =	vpop (erf)  }
0x6f: {  	v63 =	vmul.f32 $2.500000000e-01, v1;
	v2 =	vmul.f32 v2, v59;
	v62 =	vadd.f32 $1.000000000e+00, v61  }
0x70: {  	v10 =	vadd.f32 $5.000000000e-01, v10;
	v7 =	vmul.f32 v7, v52;
	v16 =	vmul.f32 $2.500000000e-01, v5  }
0x71: {  	v24 =	vmul.f32 v0, v60;
	v22 =	vadd.f32 $3.333333430e-01, v63;
	(erf) = vrcp.f32 v62  }
0x72: {  	[tilespmem:s11+$0x1000] =	vst v4;
	v20 =	vmul.f32 v10, v3;
	v21 =	vadd.f32 $3.333333430e-01, v16  }
0x73: {  	v23 =	vld [tilespmem:s8+$0x800];
	[tilespmem:s10+$0x1400] =	vst v0;
	v7 =	vadd.f32 $1.000000000e+00, v7;
	v2 =	vadd.f32 v2, v24;
	v25 =	vmul.f32 v22, v1  }
0x74: {  	v26 =	vld [tilespmem:s8+$0xC00];
	v0 =	vmul.f32 v21, v5  }
0x75: {  	v4 =	vadd.f32 $1.000000000e+00, v20;
	v30 =	vmul.f32 v7, v52;
	[tilespmem:s10+$0x1000] =	vst v2;
	v2 =	vadd.f32 $5.000000000e-01, v25;
	v27 =	vpop (erf)  }
0x76: {  	v28 =	vmul.f32 v27, v55;
	v0 =	vadd.f32 $5.000000000e-01, v0;
	v29 =	vmul.f32 $2.500000000e-01, v27  }
0x77: {  	v3 =	vmul.f32 v4, v3;
	v2 =	vmul.f32 v2, v1  }
0x78: {  	v32 =	vld [tilespmem:s6+$0x800];
	[tilespmem:s8+$0x1400] =	vst v30;
	v31 =	vmul.f32 $2.500000000e-01, v28;
	v0 =	vmul.f32 v0, v5;
	v9 =	vadd.f32 $3.333333430e-01, v29  }
0x79: {  	v6 =	vmul.f32 v30, v26;
	v33 =	vld [tilespmem:s6+$0xC00];
	v3 =	vmul.f32 v3, v23;
	v2 =	vadd.f32 $1.000000000e+00, v2  }
0x7a: {  	v7 =	vadd.f32 $3.333333430e-01, v31;
	v0 =	vadd.f32 $1.000000000e+00, v0;
	v9 =	vmul.f32 v9, v27;
	v34 =	vpop (erf)  }
0x7b: {  	v1 =	vmul.f32 v2, v1;
	v35 =	vmul.f32 v34, v61  }
0x7c: {  	v3 =	vadd.f32 v3, v6;
	v0 =	vmul.f32 v0, v5;
	v2 =	vmul.f32 v7, v28  }
0x7d: {  	v9 =	vadd.f32 $5.000000000e-01, v9;
	v36 =	vmul.f32 $2.500000000e-01, v34;
	v37 =	vmul.f32 $2.500000000e-01, v35  }
0x7e: {  	v39 =	vmul.f32 v1, v33;
	v0 =	vmul.f32 v0, v32  }
0x7f: {  	[tilespmem:s8+$0x1000] =	vst v3;
	v38 =	vmul.f32 v9, v27;
	v5 =	vadd.f32 $3.333333430e-01, v36;
	v3 =	vadd.f32 $3.333333430e-01, v37  }
0x80: {  	v2 =	vadd.f32 $5.000000000e-01, v2;
	v0 =	vadd.f32 v0, v39  }
0x81: {  	v40 =	vld [tilespmem:s7+$0x800];
	[tilespmem:s6+$0x1400] =	vst v1;
	v5 =	vmul.f32 v5, v34;
	v1 =	vmul.f32 v3, v35;
	v3 =	vadd.f32 $1.000000000e+00, v38  }
0x82: {  	v2 =	vmul.f32 v2, v28  }
0x83: {  	v41 =	vld [tilespmem:s7+$0xC00];
	[tilespmem:s6+$0x1000] =	vst v0;
	v0 =	vadd.f32 $5.000000000e-01, v5;
	v1 =	vadd.f32 $5.000000000e-01, v1;
	v3 =	vmul.f32 v3, v27  }
0x84: {  	v2 =	vadd.f32 $1.000000000e+00, v2  }
0x85: {  	v42 =	vld [tilespmem:s9+$0x800];
	v0 =	vmul.f32 v0, v34;
	v1 =	vmul.f32 v1, v35;
	[tilespmem:s7+$0x1400] =	vst v3  }
0x86: {  	v2 =	vmul.f32 v2, v28;
	v43 =	vld [tilespmem:s9+$0xC00]  }
0x87: {  	v0 =	vadd.f32 $1.000000000e+00, v0;
	v1 =	vadd.f32 $1.000000000e+00, v1  }
0x88: {  	v2 =	vmul.f32 v2, v40;
	v3 =	vmul.f32 v3, v41  }
0x89: {  	v0 =	vmul.f32 v0, v34;
	v1 =	vmul.f32 v1, v35;
	_ =	sdelay $0x1  }
0x8a: {  	v2 =	vadd.f32 v2, v3;
	v1 =	vmul.f32 v1, v42;
	v3 =	vmul.f32 v0, v43;
	_ =	sdelay $0x1  }
0x8b: {  	[tilespmem:s7+$0x1000] =	vst v2;
	v1 =	vadd.f32 v1, v3  }
0x8c: {  	[tilespmem:s9+$0x1400] =	vst v0  }
0x8d: {  	s29 =	simm.s32 $0x1000;
	[tilespmem:s9+$0x1000] =	vst v1  }
0x8e: {  	[spmem:s13] =	stream.linear.scatter [tilespmem:s29], [sflag:$0x1], $0x400, $0x38;
	[tilespmem:$0x2C10] =	vst v63  }
0x8f: {  	s30 =	simm.s32 $0x1400;
	s6 =	simm.s32 $0x1  }
0x90: {  	[spmem:s12] =	stream.linear.scatter [tilespmem:s30], [sflag:$0x1], $0x400, $0x38;
	[tilespmem:$0x2C10] =	vst v63  }
0x91: {  	_ =	swait.ge [sflag:s6], $0x400  }
0x92: {  	[sflag:s6] =	ssyncset.done $0x0  }
0x93: {  	[sflag:s6] =	ssyncadd.s32 $0xFFFFFC00  }
0x94: {  	_ =	swait.ge [sflag:s6], $0x400  }
0x95: {  	[sflag:s6] =	ssyncset.done $0x0  }
0x96: {  	s31 =	simm.s32 $0x1800;
	[sflag:s6] =	ssyncadd.s32 $0xFFFFFC00  }
0x97: {  	s10 =	simm.s32 $0x2080;
	s7 =	simm.s32 $0x80;
	[bflag:$0x0] =	sbarrier.arrive $0xFFFF  }
0x98: {  	[tilespmem:s10], [sflag:$0x1] =	stream.indirect.gather [spmem:s4], $0x1, s31, s7, $0xb8;
	[tilespmem:$0x2C10] =	vst v63  }
0x99: {  	s11 =	simm.s32 $0x2100  }
0x9a: {  	[tilespmem:s11], [sflag:$0x1] =	stream.indirect.gather [spmem:s5], $0x1, s31, s7, $0xb8;
	[tilespmem:$0x2C10] =	vst v63  }
0x9b: {  	_ =	swait.ge [sflag:s6], $0x80  }
0x9c: {  	[sflag:s6] =	ssyncset.done $0x0  }
0x9d: {  	[sflag:s6] =	ssyncadd.s32 $0xFFFFFF80  }
0x9e: {  	_ =	swait.ge [sflag:s6], $0x80  }
0x9f: {  	[sflag:s6] =	ssyncset.done $0x0  }
0xa0: {  	[sflag:s6] =	ssyncadd.s32 $0xFFFFFF80  }
0xa1: {  	v0 =	vld [tilespmem:$0x2380]  }
0xa2: {  	v1 =	vld [tilespmem:$0x2080]  }
0xa3: {  	v2 =	vld [tilespmem:$0x2100]  }
0xa4: {  	v3 =	vld [tilespmem:$0x2090]  }
0xa5: {  	v44 =	vld [tilespmem:$0x2110]  }
0xa6: {  	v45 =	vld [tilespmem:$0x20A0]  }
0xa7: {  	v46 =	vld [tilespmem:$0x2120]  }
0xa8: {  	v47 =	vld [tilespmem:$0x20B0]  }
0xa9: {  	v48 =	vld [tilespmem:$0x2130]  }
0xaa: {  	v49 =	vld [tilespmem:$0x20C0]  }
0xab: {  	v50 =	vld [tilespmem:$0x2140]  }
0xac: {  	v51 =	vld [tilespmem:$0x20D0]  }
0xad: {  	v52 =	vld [tilespmem:$0x2150]  }
0xae: {  	v53 =	vld [tilespmem:$0x20E0]  }
0xaf: {  	v54 =	vld [tilespmem:$0x2160];
	vm0 =	vgt.s32 v0, $0x9;
	v0 =	vimm.f32 $0.0e+00;
	v2 =	vsub.f32 v2, v1  }
0xb0: {  	v56 =	vld [tilespmem:$0x20F0];
	v4 =	vsub.f32 v44, v3;
	v55 =	vsel vm0, $0x3F800000, v0  }
0xb1: {  	v17 =	vld [tilespmem:$0x2170];
	v6 =	vsub.f32 v46, v45;
	v2 =	vmul.f32 v2, v55  }
0xb2: {  	v8 =	vsub.f32 v48, v47;
	v4 =	vmul.f32 v4, v55  }
0xb3: {  	v57 =	vsub.f32 v50, v49;
	v1 =	vadd.f32 v2, v1;
	v2 =	vmul.f32 v6, v55  }
0xb4: {  	v59 =	vsub.f32 v52, v51;
	v58 =	vmul.f32 v8, v55;
	v3 =	vadd.f32 v4, v3  }
0xb5: {  	v60 =	vsub.f32 v54, v53;
	[tilespmem:$0x2180] =	vst v1;
	v1 =	vadd.f32 v2, v45;
	v2 =	vmul.f32 v57, v55  }
0xb6: {  	v62 =	vsub.f32 v17, v56;
	v61 =	vmul.f32 v59, v55;
	[tilespmem:$0x2190] =	vst v3;
	v3 =	vadd.f32 v58, v47  }
0xb7: {  	[tilespmem:$0x21A0] =	vst v1;
	v1 =	vadd.f32 v2, v49;
	v2 =	vmul.f32 v60, v55  }
0xb8: {  	v63 =	vmul.f32 v62, v55;
	[tilespmem:$0x21B0] =	vst v3;
	v3 =	vadd.f32 v61, v51  }
0xb9: {  	[tilespmem:$0x21C0] =	vst v1;
	v1 =	vadd.f32 v2, v53  }
0xba: {  	[tilespmem:$0x21D0] =	vst v3;
	v2 =	vadd.f32 v63, v56  }
0xbb: {  	[tilespmem:$0x21E0] =	vst v1  }
0xbc: {  	s13 =	simm.s32 $0x2;
	s12 =	simm.s32 $0x2180;
	[tilespmem:$0x21F0] =	vst v2  }
0xbd: {  	[spmem:s4] =	stream.indirect.scatter [tilespmem:s12], [sflag:$0x2], $0x1, s31, s7, $0xb8;
	[tilespmem:$0x2C10] =	vst v63  }
0xbe: {  	_ =	swait.ge [sflag:s13], $0x80  }
0xbf: {  	[sflag:s13] =	ssyncset.done $0x0  }
0xc0: {  	[sflag:s13] =	ssyncadd.s32 $0xFFFFFF80  }
0xc1: {  	s15 =	simm.s32 $0x1C80;
	s14 =	simm.s32 $0x1880;
	[bflag:$0x0] =	sbarrier.arrive $0xFFFF  }
0xc2: {  	[tilespmem:s15], [sflag:$0x1] =	stream.indirect.gather [spmem:s4], $0x1, s14, s7, $0xb8;
	[tilespmem:$0x2C10] =	vst v63  }
0xc3: {  	s16 =	simm.s32 $0x1A80;
	s17 =	simm.s32 $0x1E80  }
0xc4: {  	[tilespmem:s17], [sflag:$0x1] =	stream.indirect.gather [spmem:s4], $0x1, s16, s7, $0xb8;
	[tilespmem:$0x2C10] =	vst v63  }
0xc5: {  	s18 =	simm.s32 $0x1900;
	s19 =	simm.s32 $0x1D00  }
0xc6: {  	[tilespmem:s19], [sflag:$0x1] =	stream.indirect.gather [spmem:s4], $0x1, s18, s7, $0xb8;
	[tilespmem:$0x2C10] =	vst v63  }
0xc7: {  	s20 =	simm.s32 $0x1B00;
	s21 =	simm.s32 $0x1F00  }
0xc8: {  	[tilespmem:s21], [sflag:$0x1] =	stream.indirect.gather [spmem:s4], $0x1, s20, s7, $0xb8;
	[tilespmem:$0x2C10] =	vst v63  }
0xc9: {  	s22 =	simm.s32 $0x1980;
	s23 =	simm.s32 $0x1D80  }
0xca: {  	[tilespmem:s23], [sflag:$0x1] =	stream.indirect.gather [spmem:s4], $0x1, s22, s7, $0xb8;
	[tilespmem:$0x2C10] =	vst v63  }
0xcb: {  	s24 =	simm.s32 $0x1B80;
	s25 =	simm.s32 $0x1F80  }
0xcc: {  	[tilespmem:s25], [sflag:$0x1] =	stream.indirect.gather [spmem:s4], $0x1, s24, s7, $0xb8;
	[tilespmem:$0x2C10] =	vst v63  }
0xcd: {  	s26 =	simm.s32 $0x1A00;
	s28 =	simm.s32 $0x1E00  }
0xce: {  	[tilespmem:s28], [sflag:$0x1] =	stream.indirect.gather [spmem:s4], $0x1, s26, s7, $0xb8;
	[tilespmem:$0x2C10] =	vst v63  }
0xcf: {  	s29 =	simm.s32 $0x1C00;
	s30 =	simm.s32 $0x2000  }
0xd0: {  	[tilespmem:s30], [sflag:$0x1] =	stream.indirect.gather [spmem:s4], $0x1, s29, s7, $0xb8;
	[tilespmem:$0x2C10] =	vst v63  }
0xd1: {  	_ =	swait.ge [sflag:s6], $0x80  }
0xd2: {  	[sflag:s6] =	ssyncset.done $0x0  }
0xd3: {  	[sflag:s6] =	ssyncadd.s32 $0xFFFFFF80  }
0xd4: {  	_ =	swait.ge [sflag:s6], $0x80  }
0xd5: {  	[sflag:s6] =	ssyncset.done $0x0  }
0xd6: {  	[sflag:s6] =	ssyncadd.s32 $0xFFFFFF80  }
0xd7: {  	_ =	swait.ge [sflag:s6], $0x80  }
0xd8: {  	[sflag:s6] =	ssyncset.done $0x0  }
0xd9: {  	[sflag:s6] =	ssyncadd.s32 $0xFFFFFF80  }
0xda: {  	_ =	swait.ge [sflag:s6], $0x80  }
0xdb: {  	[sflag:s6] =	ssyncset.done $0x0  }
0xdc: {  	[sflag:s6] =	ssyncadd.s32 $0xFFFFFF80  }
0xdd: {  	_ =	swait.ge [sflag:s6], $0x80  }
0xde: {  	[sflag:s6] =	ssyncset.done $0x0  }
0xdf: {  	[sflag:s6] =	ssyncadd.s32 $0xFFFFFF80  }
0xe0: {  	_ =	swait.ge [sflag:s6], $0x80  }
0xe1: {  	[sflag:s6] =	ssyncset.done $0x0  }
0xe2: {  	[sflag:s6] =	ssyncadd.s32 $0xFFFFFF80  }
0xe3: {  	_ =	swait.ge [sflag:s6], $0x80  }
0xe4: {  	[sflag:s6] =	ssyncset.done $0x0  }
0xe5: {  	[sflag:s6] =	ssyncadd.s32 $0xFFFFFF80  }
0xe6: {  	_ =	swait.ge [sflag:s6], $0x80  }
0xe7: {  	[sflag:s6] =	ssyncset.done $0x0  }
0xe8: {  	s31 =	simm.s32 $0x0;
	[sflag:s6] =	ssyncadd.s32 $0xFFFFFF80  }
0xe9: {  	s4 =	simm.s32 $0x40;
	v1 =	vld [tilespmem:s31+$0x1C80]  }
.LBB2_3:
0xea: {  	p1 =	sne.s32 s4, $0xFC0  }
.Ltmp1:
0xeb: {  	_ = 	snop;
	(pc) =	sbr.rel @p1 .LBB2_3-.Ltmp1, $3  }
0xec: {  	_ =	sdelay $0x1  }
0xed: {  	s5 =	sshra.s32 s4, $0x2;
	s4 =	sadd.s32 $0x40, s4;
	v0 =	vadd.f32 v1, v0  }
0xee: {  	v1 =	vld [tilespmem:s5+$0x1C80]  }
0xef: {  	_ =	sdelay $0x3  }
0xf0: {  	v0 =	vadd.f32 v1, v0  }
0xf1: {  	s6 =	simm.s32 $0x10  }
0xf2: {  	s7 =	simm.s32 $0x2300;
	s5 =	simm.s32 $0x2280;
	s4 =	simm.s32 $0x2;
	[tilespmem:$0x2280] =	vst v0  }
0xf3: {  	[spmem:s3] =	stream.indirect.scatter.add.f32 [tilespmem:s5], [sflag:$0x2], $0x1, s7, s6, $0xb8;
	[tilespmem:$0x2C10] =	vst v63  }
0xf4: {  	_ =	swait.ge [sflag:s4], $0x10  }
0xf5: {  	[sflag:s4] =	ssyncset.done $0x0  }
0xf6: {  	[sflag:s4] =	ssyncadd.s32 $0xFFFFFFF0  }
0xf7: {  	[bflag:$0x0] =	sbarrier.arrive $0xFFFF  }
0xf8: {  	_ =	sfence.sel @p0 $0x180000  }
0xf9: {  	[bflag:$0x0] =	sbarrier.arrive @p0 $0xFFFF  }
0xfa: {  	_ =	strace @p0 $0x90000047  }
0xfb: {  	[bflag:$0x2] =	sbarrier.arrive @p0 $0xFFFF  }
0xfc: {  	_ =	shalt @p0  }
.LBB2_5:
0xfd: {  	s8 =	simm.s32 $0x2200  }
0xfe: {  	[tilespmem:s8], [sflag:$0x2] =	stream.linear.gather [spmem:s3], $0x80, $0x38;
	[tilespmem:$0x2C10] =	vst v63  }
0xff: {  	_ =	swait.ge [sflag:s4], $0x80  }
0x100: {  	[sflag:s4] =	ssyncset.done $0x0  }
0x101: {  	[sflag:s4] =	ssyncadd.s32 $0xFFFFFF80  }
0x102: {  	v0 =	vld [tilespmem:$0x2200];
	_ =	sdelay $0x1  }
0x103: {  	v1 =	vimm.s32 $0xFEDCBA98  }
0x104: {  	v2 =	vimm.s32 $0x76543210;
	v1 =	vunpack.c.l.s4.s8 v1  }
0x105: {  	v2 =	vunpack.c.l.s4.s8 v2  }
0x106: {  	v1 =	vunpack.c.0.s8.s32 v1;
	[tilespmem:$0x2280] =	vst v0  }
0x107: {  	v2 =	vunpack.c.0.s8.s32 v2;
	[spmem:s2] =	stream.linear.scatter [tilespmem:s5], [sflag:$0x2], $0x80, $0x38;
	[tilespmem:$0x2C10] =	vst v63  }
0x108: {  	v1 =	vand.u32 $0xF, v1;
	_ =	swait.ge [sflag:s4], $0x80  }
0x109: {  	v1 =	vcombine.low v1, v2;
	[sflag:s4] =	ssyncset.done $0x0  }
0x10a: {  	[sflag:s4] =	ssyncadd.s32 $0xFFFFFF80  }
0x10b: {  	[tilespmem:$0x2300] =	vst v1  }
0x10c: {  	[tilespmem:s8], [sflag:$0x2] =	stream.indirect.gather [spmem:s2], $0x1, s7, s6, $0xb8;
	[tilespmem:$0x2C10] =	vst v63  }
0x10d: {  	_ =	swait.ge [sflag:s4], $0x10  }
0x10e: {  	[sflag:s4] =	ssyncset.done $0x0  }
0x10f: {  	[sflag:s4] =	ssyncadd.s32 $0xFFFFFFF0  }
0x110: {  	v49 =	vld [tilespmem:$0x2200];
	_ =	sdelay $0x3  }
0x111: {  	v50 =	vimm.s32 $0x3210FEDC;
	v3 =	vimm.s32 $0xBA987654  }
0x112: {  	v51 =	vunpack.c.l.s4.s8 v50;
	v52 =	vunpack.c.l.s4.s8 v3;
	v0 =	vadd.f32 v49, v0;
	_ =	sdelay $0x1  }
0x113: {  	v2 =	vunpack.c.0.s8.s32 v52;
	v1 =	vunpack.c.0.s8.s32 v51;
	[tilespmem:$0x2280] =	vst v0  }
0x114: {  	[spmem:s2] =	stream.linear.scatter [tilespmem:s5], [sflag:$0x2], $0x80, $0x38;
	[tilespmem:$0x2C10] =	vst v63  }
0x115: {  	v1 =	vcombine.low v2, v1;
	_ =	swait.ge [sflag:s4], $0x80  }
0x116: {  	[sflag:s4] =	ssyncset.done $0x0  }
0x117: {  	v1 =	vand.u32 $0xF, v1;
	[sflag:s4] =	ssyncadd.s32 $0xFFFFFF80  }
0x118: {  	[tilespmem:$0x2300] =	vst v1  }
0x119: {  	[tilespmem:s8], [sflag:$0x2] =	stream.indirect.gather [spmem:s2], $0x1, s7, s6, $0xb8;
	[tilespmem:$0x2C10] =	vst v63  }
0x11a: {  	_ =	swait.ge [sflag:s4], $0x10  }
0x11b: {  	[sflag:s4] =	ssyncset.done $0x0  }
0x11c: {  	[sflag:s4] =	ssyncadd.s32 $0xFFFFFFF0  }
0x11d: {  	v53 =	vld [tilespmem:$0x2200];
	_ =	sdelay $0x3  }
0x11e: {  	v54 =	vimm.s32 $0x10FEDCBA;
	v55 =	vimm.s32 $0x98765432  }
0x11f: {  	v56 =	vunpack.c.l.s4.s8 v54;
	v57 =	vunpack.c.l.s4.s8 v55;
	v0 =	vadd.f32 v53, v0;
	_ =	sdelay $0x1  }
0x120: {  	v2 =	vunpack.c.0.s8.s32 v57;
	v1 =	vunpack.c.0.s8.s32 v56;
	[tilespmem:$0x2280] =	vst v0  }
0x121: {  	[spmem:s2] =	stream.linear.scatter [tilespmem:s5], [sflag:$0x2], $0x80, $0x38;
	[tilespmem:$0x2C10] =	vst v63  }
0x122: {  	v1 =	vcombine.low v2, v1;
	_ =	swait.ge [sflag:s4], $0x80  }
0x123: {  	[sflag:s4] =	ssyncset.done $0x0  }
0x124: {  	v1 =	vand.u32 $0xF, v1;
	[sflag:s4] =	ssyncadd.s32 $0xFFFFFF80  }
0x125: {  	[tilespmem:$0x2300] =	vst v1  }
0x126: {  	[tilespmem:s8], [sflag:$0x2] =	stream.indirect.gather [spmem:s2], $0x1, s7, s6, $0xb8;
	[tilespmem:$0x2C10] =	vst v63  }
0x127: {  	_ =	swait.ge [sflag:s4], $0x10  }
0x128: {  	[sflag:s4] =	ssyncset.done $0x0  }
0x129: {  	[sflag:s4] =	ssyncadd.s32 $0xFFFFFFF0  }
0x12a: {  	v58 =	vld [tilespmem:$0x2200];
	_ =	sdelay $0x3  }
0x12b: {  	v59 =	vimm.s32 $0xFEDCBA9;
	v60 =	vimm.s32 $0x87654321  }
0x12c: {  	v61 =	vunpack.c.l.s4.s8 v59;
	v62 =	vunpack.c.l.s4.s8 v60;
	v0 =	vadd.f32 v58, v0;
	_ =	sdelay $0x1  }
0x12d: {  	v2 =	vunpack.c.0.s8.s32 v62;
	v1 =	vunpack.c.0.s8.s32 v61;
	[tilespmem:$0x2280] =	vst v0  }
0x12e: {  	[spmem:s2] =	stream.linear.scatter [tilespmem:s5], [sflag:$0x2], $0x80, $0x38;
	[tilespmem:$0x2C10] =	vst v63  }
0x12f: {  	v1 =	vcombine.low v2, v1;
	_ =	swait.ge [sflag:s4], $0x80  }
0x130: {  	[sflag:s4] =	ssyncset.done $0x0  }
0x131: {  	v1 =	vand.u32 $0xF, v1;
	[sflag:s4] =	ssyncadd.s32 $0xFFFFFF80  }
0x132: {  	[tilespmem:$0x2300] =	vst v1  }
0x133: {  	[tilespmem:s8], [sflag:$0x2] =	stream.indirect.gather [spmem:s2], $0x1, s7, s6, $0xb8;
	[tilespmem:$0x2C10] =	vst v63  }
0x134: {  	_ =	swait.ge [sflag:s4], $0x10  }
0x135: {  	[sflag:s4] =	ssyncset.done $0x0  }
0x136: {  	[sflag:s4] =	ssyncadd.s32 $0xFFFFFFF0  }
0x137: {  	v63 =	vld [tilespmem:$0x2200];
	_ =	sdelay $0x4  }
0x138: {  	v0 =	vadd.f32 v63, v0;
	_ =	sdelay $0x1  }
0x139: {  	v0 =	vmul.f32 $1.220703130e-04, v0;
	_ =	sdelay $0x1  }
0x13a: {  	s31 =	simm.s32 $0x0;
	[tilespmem:$0x2280] =	vst v0  }
0x13b: {  	[hbm4b:s1+s31] =	stream.linear.scatter [tilespmem:s5], [sflag:$0x2], $0x1, $0x38;
	[tilespmem:$0x2C10] =	vst v63  }
0x13c: {  	_ =	swait.ge [sflag:s4], $0x1  }
0x13d: {  	[sflag:s4] =	ssyncset.done $0x0  }
0x13e: {  	[sflag:s4] =	ssyncadd.s32 $0xFFFFFFFF  }
0x13f: {  	_ =	sfence.sel $0x180000  }
0x140: {  	[bflag:$0x0] =	sbarrier.arrive $0xFFFF  }
0x141: {  	_ =	strace $0x90000047  }
0x142: {  	s0 =	sadd.s32 $0x100000, s0;
	[bflag:$0x2] =	sbarrier.arrive $0xFFFF  }
0x143: {  	[sflag:s0] =	ssyncadd.tile.s32 $0x1;
	_ =	shalt  }
.Lfunc_end2:
_tile_overlayer_lowered:
.L_overlay_start_2:
0x144: {  	(tag) =	ssettag $0x2  }
0x145: {  	s0 =	rddreg [dreg:$0x0];
	s2 =	stileid.u32  }
0x146: {  	s1 =	rddreg [dreg:$0x1];
	p0 =	sne.s32 s2, $0x0  }
0x147: {  	s3 =	rddreg [dreg:$0x2];
	[bflag:$0x3] =	sbarrier.arrive $0xFFFF;
	s2 =	simm.s32 @!p0 $0x1C02  }
0x148: {  	[timem:s3], [sflag:s2] =	dma.local @!p0 [hbm:s0], s1  }
0x149: {  	s0 =	simm.s32 @!p0 $0x2  }
0x14a: {  	_ =	swait.ge @!p0 [sflag:s0], s1  }
0x14b: {  	s1 =	ssub.s32 @!p0 $0x0, s1;
	[sflag:s0] =	ssyncset.done @!p0 $0x0  }
0x14c: {  	[sflag:s0] =	ssyncadd.s32 @!p0 s1  }
0x14d: {  	[bflag:$0x3] =	sbarrier.arrive $0xFFFF  }
0x14e: {  	_ =	shalt  }

</sc_bundles>
